<compile_context>
chip_gen: v7x
topology: tpu7x:2x2x1
jax: 0.10.2.dev20260603
libtpu: 0.0.44.dev20260713+nightly
codegen_flags: <defaults>
</compile_context>

<pallas_src>
import functools
import math

import jax
import jax.numpy as jnp
from jax import lax
from jax.experimental import pallas as pl
from jax.experimental.pallas import tpu as pltpu
from jax.experimental.pallas import tpu_sc as plsc

_NBUF = 4
_H = 100


@functools.cache
def _build(B, S, D, V):
    info = plsc.get_sparse_core_info()
    NC, NS, L = info.num_cores, info.num_subcores, info.num_lanes
    NW = NC * NS
    R = B * S
    rows_w = R // NW
    n_chunks = rows_w // S
    n_outer = n_chunks // _NBUF
    scale = math.sqrt(float(D))

    mesh = plsc.VectorSubcoreMesh(core_axis_name="c", subcore_axis_name="s")

    @functools.partial(
        pl.kernel,
        out_type=jax.ShapeDtypeStruct((R, D), jnp.float32),
        mesh=mesh,
        scratch_types=[
            [pltpu.VMEM((2, _H), jnp.int32) for _ in range(_NBUF)],
            pltpu.MemorySpace.VMEM_SHARED((S, D), jnp.float32),
            [pltpu.VMEM((S, D), jnp.float32) for _ in range(_NBUF)],
            [pltpu.SemaphoreType.DMA for _ in range(_NBUF)],
            [pltpu.SemaphoreType.DMA for _ in range(_NBUF)],
            [pltpu.SemaphoreType.DMA for _ in range(_NBUF)],
            [pltpu.SemaphoreType.DMA for _ in range(_NBUF)],
        ],
    )
    def emb_kernel(table_hbm, x4_hbm, enc_hbm, out_hbm,
                   ibufs, enc_sh, bufs, isems, psems, gsems, wsems):
        cid = lax.axis_index("c")
        sid = lax.axis_index("s")
        wid = sid * NC + cid
        row0 = wid * rows_w

        @pl.when(sid == 0)
        def _():
            pltpu.sync_copy(enc_hbm, enc_sh)
        plsc.subcore_barrier()

        def out_dst(p):
            return out_hbm.at[pl.ds(row0 + p * S, S)]

        def idx_fetch(p, b):
            pltpu.async_copy(x4_hbm.at[wid, p], ibufs[b], isems[b])

        def wait_idx(p, b):
            pltpu.make_async_copy(x4_hbm.at[wid, p], ibufs[b], isems[b]).wait()

        def prefill(p, b):
            pltpu.async_copy(enc_sh, bufs[b], psems[b])

        def gather_add(p, b):
            for h in range(2):
                pltpu.async_copy(table_hbm.at[ibufs[b].at[h]],
                                 bufs[b].at[pl.ds(h * _H, _H)], gsems[b],
                                 add=True)

        def wait_prefill(p, b):
            pltpu.make_async_copy(enc_sh, bufs[b], psems[b]).wait()

        def wait_gather(p, b):
            for h in range(2):
                pltpu.make_async_copy(table_hbm.at[ibufs[b].at[h]],
                                      bufs[b].at[pl.ds(h * _H, _H)],
                                      gsems[b]).wait()

        def wait_writeout(p, b):
            pltpu.make_async_copy(bufs[b], out_dst(p), wsems[b]).wait()

        for p in range(3):
            idx_fetch(p, p)
        for p in range(2):
            prefill(p, p)
        wait_idx(0, 0)
        wait_prefill(0, 0)
        gather_add(0, 0)

        def outer(i, carry):
            for b in range(_NBUF):
                q = i * _NBUF + b
                qa = q + 2
                ba = (b + 2) % _NBUF
                qi = q + 3
                bi = (b + 3) % _NBUF

                @pl.when(qi < n_chunks)
                def _():
                    idx_fetch(qi, bi)

                @pl.when(qa < n_chunks)
                def _():
                    @pl.when(q >= 2)
                    def _():
                        wait_writeout(qa - _NBUF, ba)
                    prefill(qa, ba)

                qb = q + 1
                bb = (b + 1) % _NBUF

                @pl.when(qb < n_chunks)
                def _():
                    wait_idx(qb, bb)
                    wait_prefill(qb, bb)
                    gather_add(qb, bb)

                wait_gather(q, b)

                @plsc.parallel_loop(0, S, step=1, unroll=4)
                def _(r):
                    for c in range(D // L):
                        sl = pl.ds(c * L, L)
                        bufs[b][r, sl] = bufs[b][r, sl] * scale
                pltpu.async_copy(bufs[b], out_dst(q), wsems[b])
            return carry

        lax.fori_loop(0, n_outer, outer, 0)
        for p in range(n_chunks - _NBUF, n_chunks):
            wait_writeout(p, p % _NBUF)

    return emb_kernel


def kernel(x, table, encoding):
    B, S = x.shape
    V, D = table.shape
    NW = 32
    rows_w = B * S // NW
    x4 = x.astype(jnp.int32).reshape(NW, rows_w // S, 2, _H)
    enc = encoding[:S, :] * (1.0 / math.sqrt(float(D)))
    out = _build(B, S, D, V)(table, x4, enc)
    return out.reshape(B, S, D)

# --- scband reference (transcript-rebuilt; emitter-appended) ---
"""Pipeline reference for scband-positional-embedding-36163624632392 (READ-ONLY COPY).

The authoritative reference and input builder live on the scoring server;
editing this copy changes nothing except your own understanding.
"""

import jax, jax.numpy as jnp
import numpy as np

VOCAB = 1000000
DEPTH = 128
MAX_LEN = 2048
BATCH = 4096
SEQ = 200


def positional_encoding(length, depth):
    half = depth // 2
    positions = np.arange(length)[:, np.newaxis].astype(np.float64)
    depths = np.arange(half)[np.newaxis, :] / float(half)
    angle_rates = 1.0 / (10000.0 ** depths)
    angle_rads = positions * angle_rates
    pos_encoding = np.concatenate([np.sin(angle_rads), np.cos(angle_rads)], axis=-1)
    return jnp.asarray(pos_encoding, dtype=jnp.float32)


def setup_inputs(seed: int = 0) -> dict:
    key = jax.random.key(seed)
    k_idx, k_tab = jax.random.split(key)
    x = jax.random.randint(k_idx, (BATCH, SEQ), 0, VOCAB, dtype=jnp.int64 if jax.config.jax_enable_x64 else jnp.int32)
    table = jax.random.normal(k_tab, (VOCAB, DEPTH), dtype=jnp.float32) * 0.05
    encoding = positional_encoding(MAX_LEN, DEPTH)
    return {"x": x, "table": table, "encoding": encoding}


def reference(x, table, encoding):
    # Faithful translation of PositionalEmbedding.call
    length = x.shape[1]
    emb = jnp.take(table, x, axis=0)                       # embedding lookup (gather)
    emb = emb * jnp.sqrt(jnp.asarray(DEPTH, jnp.float32))  # scale by sqrt(d)
    out = emb + encoding[jnp.newaxis, :length, :]          # add positional encoding
    return out

if __name__ == "__main__":
    import jax
    _d = setup_inputs()
    print(jax.jit(kernel)(*tuple(_d.values())))

</pallas_src>

<mosaic_0001>
#map = affine_map<(d0, d1) -> (0, 0)>
#map1 = affine_map<(d0, d1) -> (0, 0, 0, 0)>
module attributes {stable_mosaic.version = 14 : i64} {
  func.func @emb_kernel(%arg0: i32, %arg1: i32, %arg2: memref<1000000x128xf32, #tpu.memory_space<hbm>>, %arg3: memref<32x128x2x100xi32, #tpu.memory_space<hbm>>, %arg4: memref<200x128xf32, #tpu.memory_space<hbm>>, %arg5: memref<819200x128xf32, #tpu.memory_space<hbm>>, %arg6: memref<2x100xi32, #tpu.memory_space<vmem>>, %arg7: memref<2x100xi32, #tpu.memory_space<vmem>>, %arg8: memref<2x100xi32, #tpu.memory_space<vmem>>, %arg9: memref<2x100xi32, #tpu.memory_space<vmem>>, %arg10: memref<200x128xf32, #tpu.memory_space<vmem_shared>>, %arg11: memref<200x128xf32, #tpu.memory_space<vmem>>, %arg12: memref<200x128xf32, #tpu.memory_space<vmem>>, %arg13: memref<200x128xf32, #tpu.memory_space<vmem>>, %arg14: memref<200x128xf32, #tpu.memory_space<vmem>>, %arg15: memref<!tpu.dma_semaphore, #tpu.memory_space<semaphore_mem>>, %arg16: memref<!tpu.dma_semaphore, #tpu.memory_space<semaphore_mem>>, %arg17: memref<!tpu.dma_semaphore, #tpu.memory_space<semaphore_mem>>, %arg18: memref<!tpu.dma_semaphore, #tpu.memory_space<semaphore_mem>>, %arg19: memref<!tpu.dma_semaphore, #tpu.memory_space<semaphore_mem>>, %arg20: memref<!tpu.dma_semaphore, #tpu.memory_space<semaphore_mem>>, %arg21: memref<!tpu.dma_semaphore, #tpu.memory_space<semaphore_mem>>, %arg22: memref<!tpu.dma_semaphore, #tpu.memory_space<semaphore_mem>>, %arg23: memref<!tpu.dma_semaphore, #tpu.memory_space<semaphore_mem>>, %arg24: memref<!tpu.dma_semaphore, #tpu.memory_space<semaphore_mem>>, %arg25: memref<!tpu.dma_semaphore, #tpu.memory_space<semaphore_mem>>, %arg26: memref<!tpu.dma_semaphore, #tpu.memory_space<semaphore_mem>>, %arg27: memref<!tpu.dma_semaphore, #tpu.memory_space<semaphore_mem>>, %arg28: memref<!tpu.dma_semaphore, #tpu.memory_space<semaphore_mem>>, %arg29: memref<!tpu.dma_semaphore, #tpu.memory_space<semaphore_mem>>, %arg30: memref<!tpu.dma_semaphore, #tpu.memory_space<semaphore_mem>>) attributes {dimension_semantics = [#tpu.dimension_semantics<core_parallel>, #tpu.dimension_semantics<subcore_parallel>], iteration_bounds = array<i64: 2, 16>, scalar_prefetch = 0 : i64, scratch_operands = 25 : i64, tpu.core_type = #tpu.core_type<sc_vector_subcore>, window_params = [{transform_indices = #map}, {transform_indices = #map1}, {transform_indices = #map}, {transform_indices = #map}]} {
    %mul3A = arith.constant 2 : i32
    %mul3A_0 = arith.muli %arg1, %mul3A : i32
    %add3A = arith.addi %mul3A_0, %arg0 : i32
    %mul3A_1 = arith.constant 25600 : i32
    %mul3A_2 = arith.muli %add3A, %mul3A_1 : i32
    %eq3A = arith.constant 0 : i32
    %eq3A_3 = arith.cmpi eq, %arg1, %eq3A : i32
    %convert_element_type3A = arith.extui %eq3A_3 : i1 to i32
    %cond3A = arith.constant 0 : i32
    %cond3A_4 = arith.cmpi ne, %convert_element_type3A, %cond3A : i32
    scf.if %cond3A_4 {
      "tpu.region"() ({
        %run_scoped3A = tpu.sem_alloc : memref<!tpu.dma_semaphore, #tpu.memory_space<semaphore_mem>>
        tpu.enqueue_dma source(%arg4 : memref<200x128xf32, #tpu.memory_space<hbm>>) target(%arg10 : memref<200x128xf32, #tpu.memory_space<vmem_shared>>) target_semaphore(%run_scoped3A : memref<!tpu.dma_semaphore, #tpu.memory_space<semaphore_mem>>)
        tpu.wait_dma2 semaphore(%run_scoped3A : memref<!tpu.dma_semaphore, #tpu.memory_space<semaphore_mem>>) src(%arg4 : memref<200x128xf32, #tpu.memory_space<hbm>>) dst(%arg10 : memref<200x128xf32, #tpu.memory_space<vmem_shared>>)
        tpu.yield
      }) : () -> ()
    } else {
    }
    %barrier3A = arith.constant 0 : index
    tpu.barrier barrier_id(%barrier3A)
    %dma_start3A = arith.constant 0 : i32
    %dma_start3A_5 = arith.constant 0 : i32
    %dma_start3A_6 = arith.constant 0 : i32
    %dma_start3A_7 = tpu.memref_slice %arg3[%add3A, %dma_start3A, %dma_start3A_5, %dma_start3A_6] : memref<32x128x2x100xi32, #tpu.memory_space<hbm>> -> memref<1x1x2x100xi32, #tpu.memory_space<hbm>>
    %dma_start3A_8 = tpu.memref_squeeze %dma_start3A_7 : memref<1x1x2x100xi32, #tpu.memory_space<hbm>> -> memref<2x100xi32, #tpu.memory_space<hbm>>
    %dma_start3A_9 = arith.constant 0 : i32
    %dma_start3A_10 = arith.constant 0 : i32
    %dma_start3A_11 = tpu.memref_slice %arg3[%add3A, %dma_start3A, %dma_start3A_9, %dma_start3A_10] : memref<32x128x2x100xi32, #tpu.memory_space<hbm>> -> memref<1x1x2x100xi32, #tpu.memory_space<hbm>>
    %dma_start3A_12 = tpu.memref_squeeze %dma_start3A_11 : memref<1x1x2x100xi32, #tpu.memory_space<hbm>> -> memref<2x100xi32, #tpu.memory_space<hbm>>
    tpu.enqueue_dma source(%dma_start3A_12 : memref<2x100xi32, #tpu.memory_space<hbm>>) target(%arg6 : memref<2x100xi32, #tpu.memory_space<vmem>>) target_semaphore(%arg15 : memref<!tpu.dma_semaphore, #tpu.memory_space<semaphore_mem>>)
    %dma_start3A_13 = arith.constant 1 : i32
    %dma_start3A_14 = arith.constant 0 : i32
    %dma_start3A_15 = arith.constant 0 : i32
    %dma_start3A_16 = tpu.memref_slice %arg3[%add3A, %dma_start3A_13, %dma_start3A_14, %dma_start3A_15] : memref<32x128x2x100xi32, #tpu.memory_space<hbm>> -> memref<1x1x2x100xi32, #tpu.memory_space<hbm>>
    %dma_start3A_17 = tpu.memref_squeeze %dma_start3A_16 : memref<1x1x2x100xi32, #tpu.memory_space<hbm>> -> memref<2x100xi32, #tpu.memory_space<hbm>>
    %dma_start3A_18 = arith.constant 0 : i32
    %dma_start3A_19 = arith.constant 0 : i32
    %dma_start3A_20 = tpu.memref_slice %arg3[%add3A, %dma_start3A_13, %dma_start3A_18, %dma_start3A_19] : memref<32x128x2x100xi32, #tpu.memory_space<hbm>> -> memref<1x1x2x100xi32, #tpu.memory_space<hbm>>
    %dma_start3A_21 = tpu.memref_squeeze %dma_start3A_20 : memref<1x1x2x100xi32, #tpu.memory_space<hbm>> -> memref<2x100xi32, #tpu.memory_space<hbm>>
    tpu.enqueue_dma source(%dma_start3A_21 : memref<2x100xi32, #tpu.memory_space<hbm>>) target(%arg7 : memref<2x100xi32, #tpu.memory_space<vmem>>) target_semaphore(%arg16 : memref<!tpu.dma_semaphore, #tpu.memory_space<semaphore_mem>>)
    %dma_start3A_22 = arith.constant 2 : i32
    %dma_start3A_23 = arith.constant 0 : i32
    %dma_start3A_24 = arith.constant 0 : i32
    %dma_start3A_25 = tpu.memref_slice %arg3[%add3A, %dma_start3A_22, %dma_start3A_23, %dma_start3A_24] : memref<32x128x2x100xi32, #tpu.memory_space<hbm>> -> memref<1x1x2x100xi32, #tpu.memory_space<hbm>>
    %dma_start3A_26 = tpu.memref_squeeze %dma_start3A_25 : memref<1x1x2x100xi32, #tpu.memory_space<hbm>> -> memref<2x100xi32, #tpu.memory_space<hbm>>
    %dma_start3A_27 = arith.constant 0 : i32
    %dma_start3A_28 = arith.constant 0 : i32
    %dma_start3A_29 = tpu.memref_slice %arg3[%add3A, %dma_start3A_22, %dma_start3A_27, %dma_start3A_28] : memref<32x128x2x100xi32, #tpu.memory_space<hbm>> -> memref<1x1x2x100xi32, #tpu.memory_space<hbm>>
    %dma_start3A_30 = tpu.memref_squeeze %dma_start3A_29 : memref<1x1x2x100xi32, #tpu.memory_space<hbm>> -> memref<2x100xi32, #tpu.memory_space<hbm>>
    tpu.enqueue_dma source(%dma_start3A_30 : memref<2x100xi32, #tpu.memory_space<hbm>>) target(%arg8 : memref<2x100xi32, #tpu.memory_space<vmem>>) target_semaphore(%arg17 : memref<!tpu.dma_semaphore, #tpu.memory_space<semaphore_mem>>)
    tpu.enqueue_dma source(%arg10 : memref<200x128xf32, #tpu.memory_space<vmem_shared>>) target(%arg11 : memref<200x128xf32, #tpu.memory_space<vmem>>) target_semaphore(%arg19 : memref<!tpu.dma_semaphore, #tpu.memory_space<semaphore_mem>>)
    tpu.enqueue_dma source(%arg10 : memref<200x128xf32, #tpu.memory_space<vmem_shared>>) target(%arg12 : memref<200x128xf32, #tpu.memory_space<vmem>>) target_semaphore(%arg20 : memref<!tpu.dma_semaphore, #tpu.memory_space<semaphore_mem>>)
    %dma_wait3A = arith.constant 0 : i32
    %dma_wait3A_31 = arith.constant 0 : i32
    %dma_wait3A_32 = arith.constant 0 : i32
    %dma_wait3A_33 = tpu.memref_slice %arg3[%add3A, %dma_wait3A, %dma_wait3A_31, %dma_wait3A_32] : memref<32x128x2x100xi32, #tpu.memory_space<hbm>> -> memref<1x1x2x100xi32, #tpu.memory_space<hbm>>
    %dma_wait3A_34 = tpu.memref_squeeze %dma_wait3A_33 : memref<1x1x2x100xi32, #tpu.memory_space<hbm>> -> memref<2x100xi32, #tpu.memory_space<hbm>>
    %dma_wait3A_35 = arith.constant 0 : i32
    %dma_wait3A_36 = arith.constant 0 : i32
    %dma_wait3A_37 = tpu.memref_slice %arg3[%add3A, %dma_wait3A, %dma_wait3A_35, %dma_wait3A_36] : memref<32x128x2x100xi32, #tpu.memory_space<hbm>> -> memref<1x1x2x100xi32, #tpu.memory_space<hbm>>
    %dma_wait3A_38 = tpu.memref_squeeze %dma_wait3A_37 : memref<1x1x2x100xi32, #tpu.memory_space<hbm>> -> memref<2x100xi32, #tpu.memory_space<hbm>>
    tpu.wait_dma2 semaphore(%arg15 : memref<!tpu.dma_semaphore, #tpu.memory_space<semaphore_mem>>) src(%dma_wait3A_38 : memref<2x100xi32, #tpu.memory_space<hbm>>) dst(%arg6 : memref<2x100xi32, #tpu.memory_space<vmem>>)
    tpu.wait_dma2 semaphore(%arg19 : memref<!tpu.dma_semaphore, #tpu.memory_space<semaphore_mem>>) src(%arg10 : memref<200x128xf32, #tpu.memory_space<vmem_shared>>) dst(%arg11 : memref<200x128xf32, #tpu.memory_space<vmem>>)
    %dma_start3A_39 = arith.constant 0 : i32
    %dma_start3A_40 = arith.constant 0 : i32
    %dma_start3A_41 = arith.constant 0 : i32
    %dma_start3A_42 = tpu.memref_slice %arg11[%dma_start3A_40, %dma_start3A_41] : memref<200x128xf32, #tpu.memory_space<vmem>> -> memref<100x128xf32, #tpu.memory_space<vmem>>
    %dma_start3A_43 = arith.constant 0 : i32
    %dma_start3A_44 = tpu.memref_slice %arg6[%dma_start3A_39, %dma_start3A_43] : memref<2x100xi32, #tpu.memory_space<vmem>> -> memref<1x100xi32, #tpu.memory_space<vmem>>
    %dma_start3A_45 = tpu.memref_squeeze %dma_start3A_44 : memref<1x100xi32, #tpu.memory_space<vmem>> -> memref<100xi32, #tpu.memory_space<vmem>>
    %dma_start3A_46 = arith.constant 0 : i32
    %dma_start3A_47 = arith.constant 0 : i32
    %dma_start3A_48 = tpu.memref_slice %arg2[%dma_start3A_46, %dma_start3A_47] : memref<1000000x128xf32, #tpu.memory_space<hbm>> -> memref<1000000x128xf32, #tpu.memory_space<hbm>>
    tpu.enqueue_indirect_dma source(%dma_start3A_48 : memref<1000000x128xf32, #tpu.memory_space<hbm>>) target(%dma_start3A_42 : memref<100x128xf32, #tpu.memory_space<vmem>>) offsets(%dma_start3A_45 : memref<100xi32, #tpu.memory_space<vmem>>) semaphore(%arg23 : memref<!tpu.dma_semaphore, #tpu.memory_space<semaphore_mem>>) {add = true}
    %dma_start3A_49 = arith.constant 1 : i32
    %dma_start3A_50 = arith.constant 100 : i32
    %dma_start3A_51 = arith.constant 0 : i32
    %dma_start3A_52 = tpu.memref_slice %arg11[%dma_start3A_50, %dma_start3A_51] : memref<200x128xf32, #tpu.memory_space<vmem>> -> memref<100x128xf32, #tpu.memory_space<vmem>>
    %dma_start3A_53 = arith.constant 0 : i32
    %dma_start3A_54 = tpu.memref_slice %arg6[%dma_start3A_49, %dma_start3A_53] : memref<2x100xi32, #tpu.memory_space<vmem>> -> memref<1x100xi32, #tpu.memory_space<vmem>>
    %dma_start3A_55 = tpu.memref_squeeze %dma_start3A_54 : memref<1x100xi32, #tpu.memory_space<vmem>> -> memref<100xi32, #tpu.memory_space<vmem>>
    %dma_start3A_56 = arith.constant 0 : i32
    %dma_start3A_57 = arith.constant 0 : i32
    %dma_start3A_58 = tpu.memref_slice %arg2[%dma_start3A_56, %dma_start3A_57] : memref<1000000x128xf32, #tpu.memory_space<hbm>> -> memref<1000000x128xf32, #tpu.memory_space<hbm>>
    tpu.enqueue_indirect_dma source(%dma_start3A_58 : memref<1000000x128xf32, #tpu.memory_space<hbm>>) target(%dma_start3A_52 : memref<100x128xf32, #tpu.memory_space<vmem>>) offsets(%dma_start3A_55 : memref<100xi32, #tpu.memory_space<vmem>>) semaphore(%arg23 : memref<!tpu.dma_semaphore, #tpu.memory_space<semaphore_mem>>) {add = true}
    %scan3A = arith.constant 0 : i32
    %scan3A_59 = arith.constant 0 : i32
    %scan3A_60 = arith.constant 32 : i32
    %scan3A_61 = arith.addi %scan3A_59, %scan3A_60 : i32
    %scan3A_62 = arith.constant 1 : i32
    scf.for %scan3A_88 = %scan3A_59 to %scan3A_61 step %scan3A_62  : i32 {
      %mul3A_89 = arith.constant 4 : i32
      %mul3A_90 = arith.muli %scan3A_88, %mul3A_89 : i32
      %add3A_91 = arith.constant 0 : i32
      %add3A_92 = arith.addi %mul3A_90, %add3A_91 : i32
      %add3A_93 = arith.constant 2 : i32
      %add3A_94 = arith.addi %add3A_92, %add3A_93 : i32
      %add3A_95 = arith.constant 3 : i32
      %add3A_96 = arith.addi %add3A_92, %add3A_95 : i32
      %lt3A = arith.constant 128 : i32
      %lt3A_97 = arith.cmpi slt, %add3A_96, %lt3A : i32
      %convert_element_type3A_98 = arith.extui %lt3A_97 : i1 to i32
      %cond3A_99 = arith.constant 0 : i32
      %cond3A_100 = arith.cmpi ne, %convert_element_type3A_98, %cond3A_99 : i32
      scf.if %cond3A_100 {
        %dma_start3A_307 = arith.constant 0 : i32
        %dma_start3A_308 = arith.constant 0 : i32
        %dma_start3A_309 = tpu.memref_slice %arg3[%add3A, %add3A_96, %dma_start3A_307, %dma_start3A_308] : memref<32x128x2x100xi32, #tpu.memory_space<hbm>> -> memref<1x1x2x100xi32, #tpu.memory_space<hbm>>
        %dma_start3A_310 = tpu.memref_squeeze %dma_start3A_309 : memref<1x1x2x100xi32, #tpu.memory_space<hbm>> -> memref<2x100xi32, #tpu.memory_space<hbm>>
        %dma_start3A_311 = arith.constant 0 : i32
        %dma_start3A_312 = arith.constant 0 : i32
        %dma_start3A_313 = tpu.memref_slice %arg3[%add3A, %add3A_96, %dma_start3A_311, %dma_start3A_312] : memref<32x128x2x100xi32, #tpu.memory_space<hbm>> -> memref<1x1x2x100xi32, #tpu.memory_space<hbm>>
        %dma_start3A_314 = tpu.memref_squeeze %dma_start3A_313 : memref<1x1x2x100xi32, #tpu.memory_space<hbm>> -> memref<2x100xi32, #tpu.memory_space<hbm>>
        tpu.enqueue_dma source(%dma_start3A_314 : memref<2x100xi32, #tpu.memory_space<hbm>>) target(%arg9 : memref<2x100xi32, #tpu.memory_space<vmem>>) target_semaphore(%arg18 : memref<!tpu.dma_semaphore, #tpu.memory_space<semaphore_mem>>)
      } else {
      }
      %lt3A_101 = arith.constant 128 : i32
      %lt3A_102 = arith.cmpi slt, %add3A_94, %lt3A_101 : i32
      %convert_element_type3A_103 = arith.extui %lt3A_102 : i1 to i32
      %cond3A_104 = arith.constant 0 : i32
      %cond3A_105 = arith.cmpi ne, %convert_element_type3A_103, %cond3A_104 : i32
      scf.if %cond3A_105 {
        %ge3A = arith.constant 2 : i32
        %ge3A_307 = arith.cmpi sge, %add3A_92, %ge3A : i32
        %convert_element_type3A_308 = arith.extui %ge3A_307 : i1 to i32
        %cond3A_309 = arith.constant 0 : i32
        %cond3A_310 = arith.cmpi ne, %convert_element_type3A_308, %cond3A_309 : i32
        scf.if %cond3A_310 {
          %sub3A = arith.constant 4 : i32
          %sub3A_311 = arith.subi %add3A_94, %sub3A : i32
          %mul3A_312 = arith.constant 200 : i32
          %mul3A_313 = arith.muli %sub3A_311, %mul3A_312 : i32
          %add3A_314 = arith.addi %mul3A_2, %mul3A_313 : i32
          %dma_wait3A_315 = arith.constant 0 : i32
          %dma_wait3A_316 = tpu.memref_slice %arg5[%add3A_314, %dma_wait3A_315] : memref<819200x128xf32, #tpu.memory_space<hbm>> -> memref<200x128xf32, #tpu.memory_space<hbm>>
          %dma_wait3A_317 = arith.constant 0 : i32
          %dma_wait3A_318 = tpu.memref_slice %arg5[%add3A_314, %dma_wait3A_317] : memref<819200x128xf32, #tpu.memory_space<hbm>> -> memref<200x128xf32, #tpu.memory_space<hbm>>
          tpu.wait_dma2 semaphore(%arg29 : memref<!tpu.dma_semaphore, #tpu.memory_space<semaphore_mem>>) src(%arg13 : memref<200x128xf32, #tpu.memory_space<vmem>>) dst(%dma_wait3A_318 : memref<200x128xf32, #tpu.memory_space<hbm>>)
        } else {
        }
        tpu.enqueue_dma source(%arg10 : memref<200x128xf32, #tpu.memory_space<vmem_shared>>) target(%arg13 : memref<200x128xf32, #tpu.memory_space<vmem>>) target_semaphore(%arg21 : memref<!tpu.dma_semaphore, #tpu.memory_space<semaphore_mem>>)
      } else {
      }
      %add3A_106 = arith.constant 1 : i32
      %add3A_107 = arith.addi %add3A_92, %add3A_106 : i32
      %lt3A_108 = arith.constant 128 : i32
      %lt3A_109 = arith.cmpi slt, %add3A_107, %lt3A_108 : i32
      %convert_element_type3A_110 = arith.extui %lt3A_109 : i1 to i32
      %cond3A_111 = arith.constant 0 : i32
      %cond3A_112 = arith.cmpi ne, %convert_element_type3A_110, %cond3A_111 : i32
      scf.if %cond3A_112 {
        %dma_wait3A_307 = arith.constant 0 : i32
        %dma_wait3A_308 = arith.constant 0 : i32
        %dma_wait3A_309 = tpu.memref_slice %arg3[%add3A, %add3A_107, %dma_wait3A_307, %dma_wait3A_308] : memref<32x128x2x100xi32, #tpu.memory_space<hbm>> -> memref<1x1x2x100xi32, #tpu.memory_space<hbm>>
        %dma_wait3A_310 = tpu.memref_squeeze %dma_wait3A_309 : memref<1x1x2x100xi32, #tpu.memory_space<hbm>> -> memref<2x100xi32, #tpu.memory_space<hbm>>
        %dma_wait3A_311 = arith.constant 0 : i32
        %dma_wait3A_312 = arith.constant 0 : i32
        %dma_wait3A_313 = tpu.memref_slice %arg3[%add3A, %add3A_107, %dma_wait3A_311, %dma_wait3A_312] : memref<32x128x2x100xi32, #tpu.memory_space<hbm>> -> memref<1x1x2x100xi32, #tpu.memory_space<hbm>>
        %dma_wait3A_314 = tpu.memref_squeeze %dma_wait3A_313 : memref<1x1x2x100xi32, #tpu.memory_space<hbm>> -> memref<2x100xi32, #tpu.memory_space<hbm>>
        tpu.wait_dma2 semaphore(%arg16 : memref<!tpu.dma_semaphore, #tpu.memory_space<semaphore_mem>>) src(%dma_wait3A_314 : memref<2x100xi32, #tpu.memory_space<hbm>>) dst(%arg7 : memref<2x100xi32, #tpu.memory_space<vmem>>)
        tpu.wait_dma2 semaphore(%arg20 : memref<!tpu.dma_semaphore, #tpu.memory_space<semaphore_mem>>) src(%arg10 : memref<200x128xf32, #tpu.memory_space<vmem_shared>>) dst(%arg12 : memref<200x128xf32, #tpu.memory_space<vmem>>)
        %dma_start3A_315 = arith.constant 0 : i32
        %dma_start3A_316 = arith.constant 0 : i32
        %dma_start3A_317 = arith.constant 0 : i32
        %dma_start3A_318 = tpu.memref_slice %arg12[%dma_start3A_316, %dma_start3A_317] : memref<200x128xf32, #tpu.memory_space<vmem>> -> memref<100x128xf32, #tpu.memory_space<vmem>>
        %dma_start3A_319 = arith.constant 0 : i32
        %dma_start3A_320 = tpu.memref_slice %arg7[%dma_start3A_315, %dma_start3A_319] : memref<2x100xi32, #tpu.memory_space<vmem>> -> memref<1x100xi32, #tpu.memory_space<vmem>>
        %dma_start3A_321 = tpu.memref_squeeze %dma_start3A_320 : memref<1x100xi32, #tpu.memory_space<vmem>> -> memref<100xi32, #tpu.memory_space<vmem>>
        %dma_start3A_322 = arith.constant 0 : i32
        %dma_start3A_323 = arith.constant 0 : i32
        %dma_start3A_324 = tpu.memref_slice %arg2[%dma_start3A_322, %dma_start3A_323] : memref<1000000x128xf32, #tpu.memory_space<hbm>> -> memref<1000000x128xf32, #tpu.memory_space<hbm>>
        tpu.enqueue_indirect_dma source(%dma_start3A_324 : memref<1000000x128xf32, #tpu.memory_space<hbm>>) target(%dma_start3A_318 : memref<100x128xf32, #tpu.memory_space<vmem>>) offsets(%dma_start3A_321 : memref<100xi32, #tpu.memory_space<vmem>>) semaphore(%arg24 : memref<!tpu.dma_semaphore, #tpu.memory_space<semaphore_mem>>) {add = true}
        %dma_start3A_325 = arith.constant 1 : i32
        %dma_start3A_326 = arith.constant 100 : i32
        %dma_start3A_327 = arith.constant 0 : i32
        %dma_start3A_328 = tpu.memref_slice %arg12[%dma_start3A_326, %dma_start3A_327] : memref<200x128xf32, #tpu.memory_space<vmem>> -> memref<100x128xf32, #tpu.memory_space<vmem>>
        %dma_start3A_329 = arith.constant 0 : i32
        %dma_start3A_330 = tpu.memref_slice %arg7[%dma_start3A_325, %dma_start3A_329] : memref<2x100xi32, #tpu.memory_space<vmem>> -> memref<1x100xi32, #tpu.memory_space<vmem>>
        %dma_start3A_331 = tpu.memref_squeeze %dma_start3A_330 : memref<1x100xi32, #tpu.memory_space<vmem>> -> memref<100xi32, #tpu.memory_space<vmem>>
        %dma_start3A_332 = arith.constant 0 : i32
        %dma_start3A_333 = arith.constant 0 : i32
        %dma_start3A_334 = tpu.memref_slice %arg2[%dma_start3A_332, %dma_start3A_333] : memref<1000000x128xf32, #tpu.memory_space<hbm>> -> memref<1000000x128xf32, #tpu.memory_space<hbm>>
        tpu.enqueue_indirect_dma source(%dma_start3A_334 : memref<1000000x128xf32, #tpu.memory_space<hbm>>) target(%dma_start3A_328 : memref<100x128xf32, #tpu.memory_space<vmem>>) offsets(%dma_start3A_331 : memref<100xi32, #tpu.memory_space<vmem>>) semaphore(%arg24 : memref<!tpu.dma_semaphore, #tpu.memory_space<semaphore_mem>>) {add = true}
      } else {
      }
      %dma_wait3A_113 = arith.constant 0 : i32
      %dma_wait3A_114 = arith.constant 0 : i32
      %dma_wait3A_115 = arith.constant 0 : i32
      %dma_wait3A_116 = tpu.memref_slice %arg11[%dma_wait3A_114, %dma_wait3A_115] : memref<200x128xf32, #tpu.memory_space<vmem>> -> memref<100x128xf32, #tpu.memory_space<vmem>>
      %dma_wait3A_117 = arith.constant 0 : i32
      %dma_wait3A_118 = tpu.memref_slice %arg6[%dma_wait3A_113, %dma_wait3A_117] : memref<2x100xi32, #tpu.memory_space<vmem>> -> memref<1x100xi32, #tpu.memory_space<vmem>>
      %dma_wait3A_119 = tpu.memref_squeeze %dma_wait3A_118 : memref<1x100xi32, #tpu.memory_space<vmem>> -> memref<100xi32, #tpu.memory_space<vmem>>
      %dma_wait3A_120 = arith.constant 0 : i32
      %dma_wait3A_121 = arith.constant 0 : i32
      %dma_wait3A_122 = tpu.memref_slice %arg2[%dma_wait3A_120, %dma_wait3A_121] : memref<1000000x128xf32, #tpu.memory_space<hbm>> -> memref<1000000x128xf32, #tpu.memory_space<hbm>>
      tpu.wait_indirect_dma semaphore(%arg23 : memref<!tpu.dma_semaphore, #tpu.memory_space<semaphore_mem>>) src(%dma_wait3A_122 : memref<1000000x128xf32, #tpu.memory_space<hbm>>) dst(%dma_wait3A_116 : memref<100x128xf32, #tpu.memory_space<vmem>>)
      %dma_wait3A_123 = arith.constant 1 : i32
      %dma_wait3A_124 = arith.constant 100 : i32
      %dma_wait3A_125 = arith.constant 0 : i32
      %dma_wait3A_126 = tpu.memref_slice %arg11[%dma_wait3A_124, %dma_wait3A_125] : memref<200x128xf32, #tpu.memory_space<vmem>> -> memref<100x128xf32, #tpu.memory_space<vmem>>
      %dma_wait3A_127 = arith.constant 0 : i32
      %dma_wait3A_128 = tpu.memref_slice %arg6[%dma_wait3A_123, %dma_wait3A_127] : memref<2x100xi32, #tpu.memory_space<vmem>> -> memref<1x100xi32, #tpu.memory_space<vmem>>
      %dma_wait3A_129 = tpu.memref_squeeze %dma_wait3A_128 : memref<1x100xi32, #tpu.memory_space<vmem>> -> memref<100xi32, #tpu.memory_space<vmem>>
      %dma_wait3A_130 = arith.constant 0 : i32
      %dma_wait3A_131 = arith.constant 0 : i32
      %dma_wait3A_132 = tpu.memref_slice %arg2[%dma_wait3A_130, %dma_wait3A_131] : memref<1000000x128xf32, #tpu.memory_space<hbm>> -> memref<1000000x128xf32, #tpu.memory_space<hbm>>
      tpu.wait_indirect_dma semaphore(%arg23 : memref<!tpu.dma_semaphore, #tpu.memory_space<semaphore_mem>>) src(%dma_wait3A_132 : memref<1000000x128xf32, #tpu.memory_space<hbm>>) dst(%dma_wait3A_126 : memref<100x128xf32, #tpu.memory_space<vmem>>)
      %parallel_loop3A = arith.constant 0 : i32
      %parallel_loop3A_133 = arith.constant 200 : i32
      %parallel_loop3A_134 = arith.constant 1 : i32
      scf.for %parallel_loop3A_307 = %parallel_loop3A to %parallel_loop3A_133 step %parallel_loop3A_134  : i32 {
        %parallel_loop3A_308 = arith.index_cast %parallel_loop3A_307 : i32 to index
        %parallel_loop3A_309 = arith.constant 0 : index
        %parallel_loop3A_310 = tpu.vector_load %arg11[%parallel_loop3A_308, %parallel_loop3A_309] {strides = array<i32>} : memref<200x128xf32, #tpu.memory_space<vmem>>, vector<1x16xf32>,
        %parallel_loop3A_311 = vector.shape_cast %parallel_loop3A_310 : vector<1x16xf32> to vector<16xf32>
        %parallel_loop3A_312 = arith.constant 11.3137083 : f32
        %parallel_loop3A_313 = vector.broadcast %parallel_loop3A_312 : f32 to vector<16xf32>
        %parallel_loop3A_314 = arith.mulf %parallel_loop3A_311, %parallel_loop3A_313 : vector<16xf32>
        %parallel_loop3A_315 = arith.index_cast %parallel_loop3A_307 : i32 to index
        %parallel_loop3A_316 = arith.constant 0 : index
        %parallel_loop3A_317 = tpu.vector_load %arg11[%parallel_loop3A_315, %parallel_loop3A_316] {strides = array<i32>} : memref<200x128xf32, #tpu.memory_space<vmem>>, vector<1x16xf32>,
        %parallel_loop3A_318 = vector.shape_cast %parallel_loop3A_317 : vector<1x16xf32> to vector<16xf32>
        %parallel_loop3A_319 = vector.shape_cast %parallel_loop3A_314 : vector<16xf32> to vector<1x16xf32>
        tpu.vector_store %arg11[%parallel_loop3A_315, %parallel_loop3A_316], %parallel_loop3A_319 {strides = array<i32>} : memref<200x128xf32, #tpu.memory_space<vmem>>, vector<1x16xf32>,
        %parallel_loop3A_320 = arith.index_cast %parallel_loop3A_307 : i32 to index
        %parallel_loop3A_321 = arith.constant 16 : index
        %parallel_loop3A_322 = tpu.vector_load %arg11[%parallel_loop3A_320, %parallel_loop3A_321] {strides = array<i32>} : memref<200x128xf32, #tpu.memory_space<vmem>>, vector<1x16xf32>,
        %parallel_loop3A_323 = vector.shape_cast %parallel_loop3A_322 : vector<1x16xf32> to vector<16xf32>
        %parallel_loop3A_324 = arith.constant 11.3137083 : f32
        %parallel_loop3A_325 = vector.broadcast %parallel_loop3A_324 : f32 to vector<16xf32>
        %parallel_loop3A_326 = arith.mulf %parallel_loop3A_323, %parallel_loop3A_325 : vector<16xf32>
        %parallel_loop3A_327 = arith.index_cast %parallel_loop3A_307 : i32 to index
        %parallel_loop3A_328 = arith.constant 16 : index
        %parallel_loop3A_329 = tpu.vector_load %arg11[%parallel_loop3A_327, %parallel_loop3A_328] {strides = array<i32>} : memref<200x128xf32, #tpu.memory_space<vmem>>, vector<1x16xf32>,
        %parallel_loop3A_330 = vector.shape_cast %parallel_loop3A_329 : vector<1x16xf32> to vector<16xf32>
        %parallel_loop3A_331 = vector.shape_cast %parallel_loop3A_326 : vector<16xf32> to vector<1x16xf32>
        tpu.vector_store %arg11[%parallel_loop3A_327, %parallel_loop3A_328], %parallel_loop3A_331 {strides = array<i32>} : memref<200x128xf32, #tpu.memory_space<vmem>>, vector<1x16xf32>,
        %parallel_loop3A_332 = arith.index_cast %parallel_loop3A_307 : i32 to index
        %parallel_loop3A_333 = arith.constant 32 : index
        %parallel_loop3A_334 = tpu.vector_load %arg11[%parallel_loop3A_332, %parallel_loop3A_333] {strides = array<i32>} : memref<200x128xf32, #tpu.memory_space<vmem>>, vector<1x16xf32>,
        %parallel_loop3A_335 = vector.shape_cast %parallel_loop3A_334 : vector<1x16xf32> to vector<16xf32>
        %parallel_loop3A_336 = arith.constant 11.3137083 : f32
        %parallel_loop3A_337 = vector.broadcast %parallel_loop3A_336 : f32 to vector<16xf32>
        %parallel_loop3A_338 = arith.mulf %parallel_loop3A_335, %parallel_loop3A_337 : vector<16xf32>
        %parallel_loop3A_339 = arith.index_cast %parallel_loop3A_307 : i32 to index
        %parallel_loop3A_340 = arith.constant 32 : index
        %parallel_loop3A_341 = tpu.vector_load %arg11[%parallel_loop3A_339, %parallel_loop3A_340] {strides = array<i32>} : memref<200x128xf32, #tpu.memory_space<vmem>>, vector<1x16xf32>,
        %parallel_loop3A_342 = vector.shape_cast %parallel_loop3A_341 : vector<1x16xf32> to vector<16xf32>
        %parallel_loop3A_343 = vector.shape_cast %parallel_loop3A_338 : vector<16xf32> to vector<1x16xf32>
        tpu.vector_store %arg11[%parallel_loop3A_339, %parallel_loop3A_340], %parallel_loop3A_343 {strides = array<i32>} : memref<200x128xf32, #tpu.memory_space<vmem>>, vector<1x16xf32>,
        %parallel_loop3A_344 = arith.index_cast %parallel_loop3A_307 : i32 to index
        %parallel_loop3A_345 = arith.constant 48 : index
        %parallel_loop3A_346 = tpu.vector_load %arg11[%parallel_loop3A_344, %parallel_loop3A_345] {strides = array<i32>} : memref<200x128xf32, #tpu.memory_space<vmem>>, vector<1x16xf32>,
        %parallel_loop3A_347 = vector.shape_cast %parallel_loop3A_346 : vector<1x16xf32> to vector<16xf32>
        %parallel_loop3A_348 = arith.constant 11.3137083 : f32
        %parallel_loop3A_349 = vector.broadcast %parallel_loop3A_348 : f32 to vector<16xf32>
        %parallel_loop3A_350 = arith.mulf %parallel_loop3A_347, %parallel_loop3A_349 : vector<16xf32>
        %parallel_loop3A_351 = arith.index_cast %parallel_loop3A_307 : i32 to index
        %parallel_loop3A_352 = arith.constant 48 : index
        %parallel_loop3A_353 = tpu.vector_load %arg11[%parallel_loop3A_351, %parallel_loop3A_352] {strides = array<i32>} : memref<200x128xf32, #tpu.memory_space<vmem>>, vector<1x16xf32>,
        %parallel_loop3A_354 = vector.shape_cast %parallel_loop3A_353 : vector<1x16xf32> to vector<16xf32>
        %parallel_loop3A_355 = vector.shape_cast %parallel_loop3A_350 : vector<16xf32> to vector<1x16xf32>
        tpu.vector_store %arg11[%parallel_loop3A_351, %parallel_loop3A_352], %parallel_loop3A_355 {strides = array<i32>} : memref<200x128xf32, #tpu.memory_space<vmem>>, vector<1x16xf32>,
        %parallel_loop3A_356 = arith.index_cast %parallel_loop3A_307 : i32 to index
        %parallel_loop3A_357 = arith.constant 64 : index
        %parallel_loop3A_358 = tpu.vector_load %arg11[%parallel_loop3A_356, %parallel_loop3A_357] {strides = array<i32>} : memref<200x128xf32, #tpu.memory_space<vmem>>, vector<1x16xf32>,
        %parallel_loop3A_359 = vector.shape_cast %parallel_loop3A_358 : vector<1x16xf32> to vector<16xf32>
        %parallel_loop3A_360 = arith.constant 11.3137083 : f32
        %parallel_loop3A_361 = vector.broadcast %parallel_loop3A_360 : f32 to vector<16xf32>
        %parallel_loop3A_362 = arith.mulf %parallel_loop3A_359, %parallel_loop3A_361 : vector<16xf32>
        %parallel_loop3A_363 = arith.index_cast %parallel_loop3A_307 : i32 to index
        %parallel_loop3A_364 = arith.constant 64 : index
        %parallel_loop3A_365 = tpu.vector_load %arg11[%parallel_loop3A_363, %parallel_loop3A_364] {strides = array<i32>} : memref<200x128xf32, #tpu.memory_space<vmem>>, vector<1x16xf32>,
        %parallel_loop3A_366 = vector.shape_cast %parallel_loop3A_365 : vector<1x16xf32> to vector<16xf32>
        %parallel_loop3A_367 = vector.shape_cast %parallel_loop3A_362 : vector<16xf32> to vector<1x16xf32>
        tpu.vector_store %arg11[%parallel_loop3A_363, %parallel_loop3A_364], %parallel_loop3A_367 {strides = array<i32>} : memref<200x128xf32, #tpu.memory_space<vmem>>, vector<1x16xf32>,
        %parallel_loop3A_368 = arith.index_cast %parallel_loop3A_307 : i32 to index
        %parallel_loop3A_369 = arith.constant 80 : index
        %parallel_loop3A_370 = tpu.vector_load %arg11[%parallel_loop3A_368, %parallel_loop3A_369] {strides = array<i32>} : memref<200x128xf32, #tpu.memory_space<vmem>>, vector<1x16xf32>,
        %parallel_loop3A_371 = vector.shape_cast %parallel_loop3A_370 : vector<1x16xf32> to vector<16xf32>
        %parallel_loop3A_372 = arith.constant 11.3137083 : f32
        %parallel_loop3A_373 = vector.broadcast %parallel_loop3A_372 : f32 to vector<16xf32>
        %parallel_loop3A_374 = arith.mulf %parallel_loop3A_371, %parallel_loop3A_373 : vector<16xf32>
        %parallel_loop3A_375 = arith.index_cast %parallel_loop3A_307 : i32 to index
        %parallel_loop3A_376 = arith.constant 80 : index
        %parallel_loop3A_377 = tpu.vector_load %arg11[%parallel_loop3A_375, %parallel_loop3A_376] {strides = array<i32>} : memref<200x128xf32, #tpu.memory_space<vmem>>, vector<1x16xf32>,
        %parallel_loop3A_378 = vector.shape_cast %parallel_loop3A_377 : vector<1x16xf32> to vector<16xf32>
        %parallel_loop3A_379 = vector.shape_cast %parallel_loop3A_374 : vector<16xf32> to vector<1x16xf32>
        tpu.vector_store %arg11[%parallel_loop3A_375, %parallel_loop3A_376], %parallel_loop3A_379 {strides = array<i32>} : memref<200x128xf32, #tpu.memory_space<vmem>>, vector<1x16xf32>,
        %parallel_loop3A_380 = arith.index_cast %parallel_loop3A_307 : i32 to index
        %parallel_loop3A_381 = arith.constant 96 : index
        %parallel_loop3A_382 = tpu.vector_load %arg11[%parallel_loop3A_380, %parallel_loop3A_381] {strides = array<i32>} : memref<200x128xf32, #tpu.memory_space<vmem>>, vector<1x16xf32>,
        %parallel_loop3A_383 = vector.shape_cast %parallel_loop3A_382 : vector<1x16xf32> to vector<16xf32>
        %parallel_loop3A_384 = arith.constant 11.3137083 : f32
        %parallel_loop3A_385 = vector.broadcast %parallel_loop3A_384 : f32 to vector<16xf32>
        %parallel_loop3A_386 = arith.mulf %parallel_loop3A_383, %parallel_loop3A_385 : vector<16xf32>
        %parallel_loop3A_387 = arith.index_cast %parallel_loop3A_307 : i32 to index
        %parallel_loop3A_388 = arith.constant 96 : index
        %parallel_loop3A_389 = tpu.vector_load %arg11[%parallel_loop3A_387, %parallel_loop3A_388] {strides = array<i32>} : memref<200x128xf32, #tpu.memory_space<vmem>>, vector<1x16xf32>,
        %parallel_loop3A_390 = vector.shape_cast %parallel_loop3A_389 : vector<1x16xf32> to vector<16xf32>
        %parallel_loop3A_391 = vector.shape_cast %parallel_loop3A_386 : vector<16xf32> to vector<1x16xf32>
        tpu.vector_store %arg11[%parallel_loop3A_387, %parallel_loop3A_388], %parallel_loop3A_391 {strides = array<i32>} : memref<200x128xf32, #tpu.memory_space<vmem>>, vector<1x16xf32>,
        %parallel_loop3A_392 = arith.index_cast %parallel_loop3A_307 : i32 to index
        %parallel_loop3A_393 = arith.constant 112 : index
        %parallel_loop3A_394 = tpu.vector_load %arg11[%parallel_loop3A_392, %parallel_loop3A_393] {strides = array<i32>} : memref<200x128xf32, #tpu.memory_space<vmem>>, vector<1x16xf32>,
        %parallel_loop3A_395 = vector.shape_cast %parallel_loop3A_394 : vector<1x16xf32> to vector<16xf32>
        %parallel_loop3A_396 = arith.constant 11.3137083 : f32
        %parallel_loop3A_397 = vector.broadcast %parallel_loop3A_396 : f32 to vector<16xf32>
        %parallel_loop3A_398 = arith.mulf %parallel_loop3A_395, %parallel_loop3A_397 : vector<16xf32>
        %parallel_loop3A_399 = arith.index_cast %parallel_loop3A_307 : i32 to index
        %parallel_loop3A_400 = arith.constant 112 : index
        %parallel_loop3A_401 = tpu.vector_load %arg11[%parallel_loop3A_399, %parallel_loop3A_400] {strides = array<i32>} : memref<200x128xf32, #tpu.memory_space<vmem>>, vector<1x16xf32>,
        %parallel_loop3A_402 = vector.shape_cast %parallel_loop3A_401 : vector<1x16xf32> to vector<16xf32>
        %parallel_loop3A_403 = vector.shape_cast %parallel_loop3A_398 : vector<16xf32> to vector<1x16xf32>
        tpu.vector_store %arg11[%parallel_loop3A_399, %parallel_loop3A_400], %parallel_loop3A_403 {strides = array<i32>} : memref<200x128xf32, #tpu.memory_space<vmem>>, vector<1x16xf32>,
      } {sc.loop_unroll_factor = 4 : i64, sc.parallel_access}
      %mul3A_135 = arith.constant 200 : i32
      %mul3A_136 = arith.muli %add3A_92, %mul3A_135 : i32
      %add3A_137 = arith.addi %mul3A_2, %mul3A_136 : i32
      %dma_start3A_138 = arith.constant 0 : i32
      %dma_start3A_139 = tpu.memref_slice %arg5[%add3A_137, %dma_start3A_138] : memref<819200x128xf32, #tpu.memory_space<hbm>> -> memref<200x128xf32, #tpu.memory_space<hbm>>
      %dma_start3A_140 = arith.constant 0 : i32
      %dma_start3A_141 = tpu.memref_slice %arg5[%add3A_137, %dma_start3A_140] : memref<819200x128xf32, #tpu.memory_space<hbm>> -> memref<200x128xf32, #tpu.memory_space<hbm>>
      tpu.enqueue_dma source(%arg11 : memref<200x128xf32, #tpu.memory_space<vmem>>) target(%dma_start3A_141 : memref<200x128xf32, #tpu.memory_space<hbm>>) target_semaphore(%arg27 : memref<!tpu.dma_semaphore, #tpu.memory_space<semaphore_mem>>)
      %mul3A_142 = arith.constant 4 : i32
      %mul3A_143 = arith.muli %scan3A_88, %mul3A_142 : i32
      %add3A_144 = arith.constant 1 : i32
      %add3A_145 = arith.addi %mul3A_143, %add3A_144 : i32
      %add3A_146 = arith.constant 2 : i32
      %add3A_147 = arith.addi %add3A_145, %add3A_146 : i32
      %add3A_148 = arith.constant 3 : i32
      %add3A_149 = arith.addi %add3A_145, %add3A_148 : i32
      %lt3A_150 = arith.constant 128 : i32
      %lt3A_151 = arith.cmpi slt, %add3A_149, %lt3A_150 : i32
      %convert_element_type3A_152 = arith.extui %lt3A_151 : i1 to i32
      %cond3A_153 = arith.constant 0 : i32
      %cond3A_154 = arith.cmpi ne, %convert_element_type3A_152, %cond3A_153 : i32
      scf.if %cond3A_154 {
        %dma_start3A_307 = arith.constant 0 : i32
        %dma_start3A_308 = arith.constant 0 : i32
        %dma_start3A_309 = tpu.memref_slice %arg3[%add3A, %add3A_149, %dma_start3A_307, %dma_start3A_308] : memref<32x128x2x100xi32, #tpu.memory_space<hbm>> -> memref<1x1x2x100xi32, #tpu.memory_space<hbm>>
        %dma_start3A_310 = tpu.memref_squeeze %dma_start3A_309 : memref<1x1x2x100xi32, #tpu.memory_space<hbm>> -> memref<2x100xi32, #tpu.memory_space<hbm>>
        %dma_start3A_311 = arith.constant 0 : i32
        %dma_start3A_312 = arith.constant 0 : i32
        %dma_start3A_313 = tpu.memref_slice %arg3[%add3A, %add3A_149, %dma_start3A_311, %dma_start3A_312] : memref<32x128x2x100xi32, #tpu.memory_space<hbm>> -> memref<1x1x2x100xi32, #tpu.memory_space<hbm>>
        %dma_start3A_314 = tpu.memref_squeeze %dma_start3A_313 : memref<1x1x2x100xi32, #tpu.memory_space<hbm>> -> memref<2x100xi32, #tpu.memory_space<hbm>>
        tpu.enqueue_dma source(%dma_start3A_314 : memref<2x100xi32, #tpu.memory_space<hbm>>) target(%arg6 : memref<2x100xi32, #tpu.memory_space<vmem>>) target_semaphore(%arg15 : memref<!tpu.dma_semaphore, #tpu.memory_space<semaphore_mem>>)
      } else {
      }
      %lt3A_155 = arith.constant 128 : i32
      %lt3A_156 = arith.cmpi slt, %add3A_147, %lt3A_155 : i32
      %convert_element_type3A_157 = arith.extui %lt3A_156 : i1 to i32
      %cond3A_158 = arith.constant 0 : i32
      %cond3A_159 = arith.cmpi ne, %convert_element_type3A_157, %cond3A_158 : i32
      scf.if %cond3A_159 {
        %ge3A = arith.constant 2 : i32
        %ge3A_307 = arith.cmpi sge, %add3A_145, %ge3A : i32
        %convert_element_type3A_308 = arith.extui %ge3A_307 : i1 to i32
        %cond3A_309 = arith.constant 0 : i32
        %cond3A_310 = arith.cmpi ne, %convert_element_type3A_308, %cond3A_309 : i32
        scf.if %cond3A_310 {
          %sub3A = arith.constant 4 : i32
          %sub3A_311 = arith.subi %add3A_147, %sub3A : i32
          %mul3A_312 = arith.constant 200 : i32
          %mul3A_313 = arith.muli %sub3A_311, %mul3A_312 : i32
          %add3A_314 = arith.addi %mul3A_2, %mul3A_313 : i32
          %dma_wait3A_315 = arith.constant 0 : i32
          %dma_wait3A_316 = tpu.memref_slice %arg5[%add3A_314, %dma_wait3A_315] : memref<819200x128xf32, #tpu.memory_space<hbm>> -> memref<200x128xf32, #tpu.memory_space<hbm>>
          %dma_wait3A_317 = arith.constant 0 : i32
          %dma_wait3A_318 = tpu.memref_slice %arg5[%add3A_314, %dma_wait3A_317] : memref<819200x128xf32, #tpu.memory_space<hbm>> -> memref<200x128xf32, #tpu.memory_space<hbm>>
          tpu.wait_dma2 semaphore(%arg30 : memref<!tpu.dma_semaphore, #tpu.memory_space<semaphore_mem>>) src(%arg14 : memref<200x128xf32, #tpu.memory_space<vmem>>) dst(%dma_wait3A_318 : memref<200x128xf32, #tpu.memory_space<hbm>>)
        } else {
        }
        tpu.enqueue_dma source(%arg10 : memref<200x128xf32, #tpu.memory_space<vmem_shared>>) target(%arg14 : memref<200x128xf32, #tpu.memory_space<vmem>>) target_semaphore(%arg22 : memref<!tpu.dma_semaphore, #tpu.memory_space<semaphore_mem>>)
      } else {
      }
      %add3A_160 = arith.constant 1 : i32
      %add3A_161 = arith.addi %add3A_145, %add3A_160 : i32
      %lt3A_162 = arith.constant 128 : i32
      %lt3A_163 = arith.cmpi slt, %add3A_161, %lt3A_162 : i32
      %convert_element_type3A_164 = arith.extui %lt3A_163 : i1 to i32
      %cond3A_165 = arith.constant 0 : i32
      %cond3A_166 = arith.cmpi ne, %convert_element_type3A_164, %cond3A_165 : i32
      scf.if %cond3A_166 {
        %dma_wait3A_307 = arith.constant 0 : i32
        %dma_wait3A_308 = arith.constant 0 : i32
        %dma_wait3A_309 = tpu.memref_slice %arg3[%add3A, %add3A_161, %dma_wait3A_307, %dma_wait3A_308] : memref<32x128x2x100xi32, #tpu.memory_space<hbm>> -> memref<1x1x2x100xi32, #tpu.memory_space<hbm>>
        %dma_wait3A_310 = tpu.memref_squeeze %dma_wait3A_309 : memref<1x1x2x100xi32, #tpu.memory_space<hbm>> -> memref<2x100xi32, #tpu.memory_space<hbm>>
        %dma_wait3A_311 = arith.constant 0 : i32
        %dma_wait3A_312 = arith.constant 0 : i32
        %dma_wait3A_313 = tpu.memref_slice %arg3[%add3A, %add3A_161, %dma_wait3A_311, %dma_wait3A_312] : memref<32x128x2x100xi32, #tpu.memory_space<hbm>> -> memref<1x1x2x100xi32, #tpu.memory_space<hbm>>
        %dma_wait3A_314 = tpu.memref_squeeze %dma_wait3A_313 : memref<1x1x2x100xi32, #tpu.memory_space<hbm>> -> memref<2x100xi32, #tpu.memory_space<hbm>>
        tpu.wait_dma2 semaphore(%arg17 : memref<!tpu.dma_semaphore, #tpu.memory_space<semaphore_mem>>) src(%dma_wait3A_314 : memref<2x100xi32, #tpu.memory_space<hbm>>) dst(%arg8 : memref<2x100xi32, #tpu.memory_space<vmem>>)
        tpu.wait_dma2 semaphore(%arg21 : memref<!tpu.dma_semaphore, #tpu.memory_space<semaphore_mem>>) src(%arg10 : memref<200x128xf32, #tpu.memory_space<vmem_shared>>) dst(%arg13 : memref<200x128xf32, #tpu.memory_space<vmem>>)
        %dma_start3A_315 = arith.constant 0 : i32
        %dma_start3A_316 = arith.constant 0 : i32
        %dma_start3A_317 = arith.constant 0 : i32
        %dma_start3A_318 = tpu.memref_slice %arg13[%dma_start3A_316, %dma_start3A_317] : memref<200x128xf32, #tpu.memory_space<vmem>> -> memref<100x128xf32, #tpu.memory_space<vmem>>
        %dma_start3A_319 = arith.constant 0 : i32
        %dma_start3A_320 = tpu.memref_slice %arg8[%dma_start3A_315, %dma_start3A_319] : memref<2x100xi32, #tpu.memory_space<vmem>> -> memref<1x100xi32, #tpu.memory_space<vmem>>
        %dma_start3A_321 = tpu.memref_squeeze %dma_start3A_320 : memref<1x100xi32, #tpu.memory_space<vmem>> -> memref<100xi32, #tpu.memory_space<vmem>>
        %dma_start3A_322 = arith.constant 0 : i32
        %dma_start3A_323 = arith.constant 0 : i32
        %dma_start3A_324 = tpu.memref_slice %arg2[%dma_start3A_322, %dma_start3A_323] : memref<1000000x128xf32, #tpu.memory_space<hbm>> -> memref<1000000x128xf32, #tpu.memory_space<hbm>>
        tpu.enqueue_indirect_dma source(%dma_start3A_324 : memref<1000000x128xf32, #tpu.memory_space<hbm>>) target(%dma_start3A_318 : memref<100x128xf32, #tpu.memory_space<vmem>>) offsets(%dma_start3A_321 : memref<100xi32, #tpu.memory_space<vmem>>) semaphore(%arg25 : memref<!tpu.dma_semaphore, #tpu.memory_space<semaphore_mem>>) {add = true}
        %dma_start3A_325 = arith.constant 1 : i32
        %dma_start3A_326 = arith.constant 100 : i32
        %dma_start3A_327 = arith.constant 0 : i32
        %dma_start3A_328 = tpu.memref_slice %arg13[%dma_start3A_326, %dma_start3A_327] : memref<200x128xf32, #tpu.memory_space<vmem>> -> memref<100x128xf32, #tpu.memory_space<vmem>>
        %dma_start3A_329 = arith.constant 0 : i32
        %dma_start3A_330 = tpu.memref_slice %arg8[%dma_start3A_325, %dma_start3A_329] : memref<2x100xi32, #tpu.memory_space<vmem>> -> memref<1x100xi32, #tpu.memory_space<vmem>>
        %dma_start3A_331 = tpu.memref_squeeze %dma_start3A_330 : memref<1x100xi32, #tpu.memory_space<vmem>> -> memref<100xi32, #tpu.memory_space<vmem>>
        %dma_start3A_332 = arith.constant 0 : i32
        %dma_start3A_333 = arith.constant 0 : i32
        %dma_start3A_334 = tpu.memref_slice %arg2[%dma_start3A_332, %dma_start3A_333] : memref<1000000x128xf32, #tpu.memory_space<hbm>> -> memref<1000000x128xf32, #tpu.memory_space<hbm>>
        tpu.enqueue_indirect_dma source(%dma_start3A_334 : memref<1000000x128xf32, #tpu.memory_space<hbm>>) target(%dma_start3A_328 : memref<100x128xf32, #tpu.memory_space<vmem>>) offsets(%dma_start3A_331 : memref<100xi32, #tpu.memory_space<vmem>>) semaphore(%arg25 : memref<!tpu.dma_semaphore, #tpu.memory_space<semaphore_mem>>) {add = true}
      } else {
      }
      %dma_wait3A_167 = arith.constant 0 : i32
      %dma_wait3A_168 = arith.constant 0 : i32
      %dma_wait3A_169 = arith.constant 0 : i32
      %dma_wait3A_170 = tpu.memref_slice %arg12[%dma_wait3A_168, %dma_wait3A_169] : memref<200x128xf32, #tpu.memory_space<vmem>> -> memref<100x128xf32, #tpu.memory_space<vmem>>
      %dma_wait3A_171 = arith.constant 0 : i32
      %dma_wait3A_172 = tpu.memref_slice %arg7[%dma_wait3A_167, %dma_wait3A_171] : memref<2x100xi32, #tpu.memory_space<vmem>> -> memref<1x100xi32, #tpu.memory_space<vmem>>
      %dma_wait3A_173 = tpu.memref_squeeze %dma_wait3A_172 : memref<1x100xi32, #tpu.memory_space<vmem>> -> memref<100xi32, #tpu.memory_space<vmem>>
      %dma_wait3A_174 = arith.constant 0 : i32
      %dma_wait3A_175 = arith.constant 0 : i32
      %dma_wait3A_176 = tpu.memref_slice %arg2[%dma_wait3A_174, %dma_wait3A_175] : memref<1000000x128xf32, #tpu.memory_space<hbm>> -> memref<1000000x128xf32, #tpu.memory_space<hbm>>
      tpu.wait_indirect_dma semaphore(%arg24 : memref<!tpu.dma_semaphore, #tpu.memory_space<semaphore_mem>>) src(%dma_wait3A_176 : memref<1000000x128xf32, #tpu.memory_space<hbm>>) dst(%dma_wait3A_170 : memref<100x128xf32, #tpu.memory_space<vmem>>)
      %dma_wait3A_177 = arith.constant 1 : i32
      %dma_wait3A_178 = arith.constant 100 : i32
      %dma_wait3A_179 = arith.constant 0 : i32
      %dma_wait3A_180 = tpu.memref_slice %arg12[%dma_wait3A_178, %dma_wait3A_179] : memref<200x128xf32, #tpu.memory_space<vmem>> -> memref<100x128xf32, #tpu.memory_space<vmem>>
      %dma_wait3A_181 = arith.constant 0 : i32
      %dma_wait3A_182 = tpu.memref_slice %arg7[%dma_wait3A_177, %dma_wait3A_181] : memref<2x100xi32, #tpu.memory_space<vmem>> -> memref<1x100xi32, #tpu.memory_space<vmem>>
      %dma_wait3A_183 = tpu.memref_squeeze %dma_wait3A_182 : memref<1x100xi32, #tpu.memory_space<vmem>> -> memref<100xi32, #tpu.memory_space<vmem>>
      %dma_wait3A_184 = arith.constant 0 : i32
      %dma_wait3A_185 = arith.constant 0 : i32
      %dma_wait3A_186 = tpu.memref_slice %arg2[%dma_wait3A_184, %dma_wait3A_185] : memref<1000000x128xf32, #tpu.memory_space<hbm>> -> memref<1000000x128xf32, #tpu.memory_space<hbm>>
      tpu.wait_indirect_dma semaphore(%arg24 : memref<!tpu.dma_semaphore, #tpu.memory_space<semaphore_mem>>) src(%dma_wait3A_186 : memref<1000000x128xf32, #tpu.memory_space<hbm>>) dst(%dma_wait3A_180 : memref<100x128xf32, #tpu.memory_space<vmem>>)
      %parallel_loop3A_187 = arith.constant 0 : i32
      %parallel_loop3A_188 = arith.constant 200 : i32
      %parallel_loop3A_189 = arith.constant 1 : i32
      scf.for %parallel_loop3A_307 = %parallel_loop3A_187 to %parallel_loop3A_188 step %parallel_loop3A_189  : i32 {
        %parallel_loop3A_308 = arith.index_cast %parallel_loop3A_307 : i32 to index
        %parallel_loop3A_309 = arith.constant 0 : index
        %parallel_loop3A_310 = tpu.vector_load %arg12[%parallel_loop3A_308, %parallel_loop3A_309] {strides = array<i32>} : memref<200x128xf32, #tpu.memory_space<vmem>>, vector<1x16xf32>,
        %parallel_loop3A_311 = vector.shape_cast %parallel_loop3A_310 : vector<1x16xf32> to vector<16xf32>
        %parallel_loop3A_312 = arith.constant 11.3137083 : f32
        %parallel_loop3A_313 = vector.broadcast %parallel_loop3A_312 : f32 to vector<16xf32>
        %parallel_loop3A_314 = arith.mulf %parallel_loop3A_311, %parallel_loop3A_313 : vector<16xf32>
        %parallel_loop3A_315 = arith.index_cast %parallel_loop3A_307 : i32 to index
        %parallel_loop3A_316 = arith.constant 0 : index
        %parallel_loop3A_317 = tpu.vector_load %arg12[%parallel_loop3A_315, %parallel_loop3A_316] {strides = array<i32>} : memref<200x128xf32, #tpu.memory_space<vmem>>, vector<1x16xf32>,
        %parallel_loop3A_318 = vector.shape_cast %parallel_loop3A_317 : vector<1x16xf32> to vector<16xf32>
        %parallel_loop3A_319 = vector.shape_cast %parallel_loop3A_314 : vector<16xf32> to vector<1x16xf32>
        tpu.vector_store %arg12[%parallel_loop3A_315, %parallel_loop3A_316], %parallel_loop3A_319 {strides = array<i32>} : memref<200x128xf32, #tpu.memory_space<vmem>>, vector<1x16xf32>,
        %parallel_loop3A_320 = arith.index_cast %parallel_loop3A_307 : i32 to index
        %parallel_loop3A_321 = arith.constant 16 : index
        %parallel_loop3A_322 = tpu.vector_load %arg12[%parallel_loop3A_320, %parallel_loop3A_321] {strides = array<i32>} : memref<200x128xf32, #tpu.memory_space<vmem>>, vector<1x16xf32>,
        %parallel_loop3A_323 = vector.shape_cast %parallel_loop3A_322 : vector<1x16xf32> to vector<16xf32>
        %parallel_loop3A_324 = arith.constant 11.3137083 : f32
        %parallel_loop3A_325 = vector.broadcast %parallel_loop3A_324 : f32 to vector<16xf32>
        %parallel_loop3A_326 = arith.mulf %parallel_loop3A_323, %parallel_loop3A_325 : vector<16xf32>
        %parallel_loop3A_327 = arith.index_cast %parallel_loop3A_307 : i32 to index
        %parallel_loop3A_328 = arith.constant 16 : index
        %parallel_loop3A_329 = tpu.vector_load %arg12[%parallel_loop3A_327, %parallel_loop3A_328] {strides = array<i32>} : memref<200x128xf32, #tpu.memory_space<vmem>>, vector<1x16xf32>,
        %parallel_loop3A_330 = vector.shape_cast %parallel_loop3A_329 : vector<1x16xf32> to vector<16xf32>
        %parallel_loop3A_331 = vector.shape_cast %parallel_loop3A_326 : vector<16xf32> to vector<1x16xf32>
        tpu.vector_store %arg12[%parallel_loop3A_327, %parallel_loop3A_328], %parallel_loop3A_331 {strides = array<i32>} : memref<200x128xf32, #tpu.memory_space<vmem>>, vector<1x16xf32>,
        %parallel_loop3A_332 = arith.index_cast %parallel_loop3A_307 : i32 to index
        %parallel_loop3A_333 = arith.constant 32 : index
        %parallel_loop3A_334 = tpu.vector_load %arg12[%parallel_loop3A_332, %parallel_loop3A_333] {strides = array<i32>} : memref<200x128xf32, #tpu.memory_space<vmem>>, vector<1x16xf32>,
        %parallel_loop3A_335 = vector.shape_cast %parallel_loop3A_334 : vector<1x16xf32> to vector<16xf32>
        %parallel_loop3A_336 = arith.constant 11.3137083 : f32
        %parallel_loop3A_337 = vector.broadcast %parallel_loop3A_336 : f32 to vector<16xf32>
        %parallel_loop3A_338 = arith.mulf %parallel_loop3A_335, %parallel_loop3A_337 : vector<16xf32>
        %parallel_loop3A_339 = arith.index_cast %parallel_loop3A_307 : i32 to index
        %parallel_loop3A_340 = arith.constant 32 : index
        %parallel_loop3A_341 = tpu.vector_load %arg12[%parallel_loop3A_339, %parallel_loop3A_340] {strides = array<i32>} : memref<200x128xf32, #tpu.memory_space<vmem>>, vector<1x16xf32>,
        %parallel_loop3A_342 = vector.shape_cast %parallel_loop3A_341 : vector<1x16xf32> to vector<16xf32>
        %parallel_loop3A_343 = vector.shape_cast %parallel_loop3A_338 : vector<16xf32> to vector<1x16xf32>
        tpu.vector_store %arg12[%parallel_loop3A_339, %parallel_loop3A_340], %parallel_loop3A_343 {strides = array<i32>} : memref<200x128xf32, #tpu.memory_space<vmem>>, vector<1x16xf32>,
        %parallel_loop3A_344 = arith.index_cast %parallel_loop3A_307 : i32 to index
        %parallel_loop3A_345 = arith.constant 48 : index
        %parallel_loop3A_346 = tpu.vector_load %arg12[%parallel_loop3A_344, %parallel_loop3A_345] {strides = array<i32>} : memref<200x128xf32, #tpu.memory_space<vmem>>, vector<1x16xf32>,
        %parallel_loop3A_347 = vector.shape_cast %parallel_loop3A_346 : vector<1x16xf32> to vector<16xf32>
        %parallel_loop3A_348 = arith.constant 11.3137083 : f32
        %parallel_loop3A_349 = vector.broadcast %parallel_loop3A_348 : f32 to vector<16xf32>
        %parallel_loop3A_350 = arith.mulf %parallel_loop3A_347, %parallel_loop3A_349 : vector<16xf32>
        %parallel_loop3A_351 = arith.index_cast %parallel_loop3A_307 : i32 to index
        %parallel_loop3A_352 = arith.constant 48 : index
        %parallel_loop3A_353 = tpu.vector_load %arg12[%parallel_loop3A_351, %parallel_loop3A_352] {strides = array<i32>} : memref<200x128xf32, #tpu.memory_space<vmem>>, vector<1x16xf32>,
        %parallel_loop3A_354 = vector.shape_cast %parallel_loop3A_353 : vector<1x16xf32> to vector<16xf32>
        %parallel_loop3A_355 = vector.shape_cast %parallel_loop3A_350 : vector<16xf32> to vector<1x16xf32>
        tpu.vector_store %arg12[%parallel_loop3A_351, %parallel_loop3A_352], %parallel_loop3A_355 {strides = array<i32>} : memref<200x128xf32, #tpu.memory_space<vmem>>, vector<1x16xf32>,
        %parallel_loop3A_356 = arith.index_cast %parallel_loop3A_307 : i32 to index
        %parallel_loop3A_357 = arith.constant 64 : index
        %parallel_loop3A_358 = tpu.vector_load %arg12[%parallel_loop3A_356, %parallel_loop3A_357] {strides = array<i32>} : memref<200x128xf32, #tpu.memory_space<vmem>>, vector<1x16xf32>,
        %parallel_loop3A_359 = vector.shape_cast %parallel_loop3A_358 : vector<1x16xf32> to vector<16xf32>
        %parallel_loop3A_360 = arith.constant 11.3137083 : f32
        %parallel_loop3A_361 = vector.broadcast %parallel_loop3A_360 : f32 to vector<16xf32>
        %parallel_loop3A_362 = arith.mulf %parallel_loop3A_359, %parallel_loop3A_361 : vector<16xf32>
        %parallel_loop3A_363 = arith.index_cast %parallel_loop3A_307 : i32 to index
        %parallel_loop3A_364 = arith.constant 64 : index
        %parallel_loop3A_365 = tpu.vector_load %arg12[%parallel_loop3A_363, %parallel_loop3A_364] {strides = array<i32>} : memref<200x128xf32, #tpu.memory_space<vmem>>, vector<1x16xf32>,
        %parallel_loop3A_366 = vector.shape_cast %parallel_loop3A_365 : vector<1x16xf32> to vector<16xf32>
        %parallel_loop3A_367 = vector.shape_cast %parallel_loop3A_362 : vector<16xf32> to vector<1x16xf32>
        tpu.vector_store %arg12[%parallel_loop3A_363, %parallel_loop3A_364], %parallel_loop3A_367 {strides = array<i32>} : memref<200x128xf32, #tpu.memory_space<vmem>>, vector<1x16xf32>,
        %parallel_loop3A_368 = arith.index_cast %parallel_loop3A_307 : i32 to index
        %parallel_loop3A_369 = arith.constant 80 : index
        %parallel_loop3A_370 = tpu.vector_load %arg12[%parallel_loop3A_368, %parallel_loop3A_369] {strides = array<i32>} : memref<200x128xf32, #tpu.memory_space<vmem>>, vector<1x16xf32>,
        %parallel_loop3A_371 = vector.shape_cast %parallel_loop3A_370 : vector<1x16xf32> to vector<16xf32>
        %parallel_loop3A_372 = arith.constant 11.3137083 : f32
        %parallel_loop3A_373 = vector.broadcast %parallel_loop3A_372 : f32 to vector<16xf32>
        %parallel_loop3A_374 = arith.mulf %parallel_loop3A_371, %parallel_loop3A_373 : vector<16xf32>
        %parallel_loop3A_375 = arith.index_cast %parallel_loop3A_307 : i32 to index
        %parallel_loop3A_376 = arith.constant 80 : index
        %parallel_loop3A_377 = tpu.vector_load %arg12[%parallel_loop3A_375, %parallel_loop3A_376] {strides = array<i32>} : memref<200x128xf32, #tpu.memory_space<vmem>>, vector<1x16xf32>,
        %parallel_loop3A_378 = vector.shape_cast %parallel_loop3A_377 : vector<1x16xf32> to vector<16xf32>
        %parallel_loop3A_379 = vector.shape_cast %parallel_loop3A_374 : vector<16xf32> to vector<1x16xf32>
        tpu.vector_store %arg12[%parallel_loop3A_375, %parallel_loop3A_376], %parallel_loop3A_379 {strides = array<i32>} : memref<200x128xf32, #tpu.memory_space<vmem>>, vector<1x16xf32>,
        %parallel_loop3A_380 = arith.index_cast %parallel_loop3A_307 : i32 to index
        %parallel_loop3A_381 = arith.constant 96 : index
        %parallel_loop3A_382 = tpu.vector_load %arg12[%parallel_loop3A_380, %parallel_loop3A_381] {strides = array<i32>} : memref<200x128xf32, #tpu.memory_space<vmem>>, vector<1x16xf32>,
        %parallel_loop3A_383 = vector.shape_cast %parallel_loop3A_382 : vector<1x16xf32> to vector<16xf32>
        %parallel_loop3A_384 = arith.constant 11.3137083 : f32
        %parallel_loop3A_385 = vector.broadcast %parallel_loop3A_384 : f32 to vector<16xf32>
        %parallel_loop3A_386 = arith.mulf %parallel_loop3A_383, %parallel_loop3A_385 : vector<16xf32>
        %parallel_loop3A_387 = arith.index_cast %parallel_loop3A_307 : i32 to index
        %parallel_loop3A_388 = arith.constant 96 : index
        %parallel_loop3A_389 = tpu.vector_load %arg12[%parallel_loop3A_387, %parallel_loop3A_388] {strides = array<i32>} : memref<200x128xf32, #tpu.memory_space<vmem>>, vector<1x16xf32>,
        %parallel_loop3A_390 = vector.shape_cast %parallel_loop3A_389 : vector<1x16xf32> to vector<16xf32>
        %parallel_loop3A_391 = vector.shape_cast %parallel_loop3A_386 : vector<16xf32> to vector<1x16xf32>
        tpu.vector_store %arg12[%parallel_loop3A_387, %parallel_loop3A_388], %parallel_loop3A_391 {strides = array<i32>} : memref<200x128xf32, #tpu.memory_space<vmem>>, vector<1x16xf32>,
        %parallel_loop3A_392 = arith.index_cast %parallel_loop3A_307 : i32 to index
        %parallel_loop3A_393 = arith.constant 112 : index
        %parallel_loop3A_394 = tpu.vector_load %arg12[%parallel_loop3A_392, %parallel_loop3A_393] {strides = array<i32>} : memref<200x128xf32, #tpu.memory_space<vmem>>, vector<1x16xf32>,
        %parallel_loop3A_395 = vector.shape_cast %parallel_loop3A_394 : vector<1x16xf32> to vector<16xf32>
        %parallel_loop3A_396 = arith.constant 11.3137083 : f32
        %parallel_loop3A_397 = vector.broadcast %parallel_loop3A_396 : f32 to vector<16xf32>
        %parallel_loop3A_398 = arith.mulf %parallel_loop3A_395, %parallel_loop3A_397 : vector<16xf32>
        %parallel_loop3A_399 = arith.index_cast %parallel_loop3A_307 : i32 to index
        %parallel_loop3A_400 = arith.constant 112 : index
        %parallel_loop3A_401 = tpu.vector_load %arg12[%parallel_loop3A_399, %parallel_loop3A_400] {strides = array<i32>} : memref<200x128xf32, #tpu.memory_space<vmem>>, vector<1x16xf32>,
        %parallel_loop3A_402 = vector.shape_cast %parallel_loop3A_401 : vector<1x16xf32> to vector<16xf32>
        %parallel_loop3A_403 = vector.shape_cast %parallel_loop3A_398 : vector<16xf32> to vector<1x16xf32>
        tpu.vector_store %arg12[%parallel_loop3A_399, %parallel_loop3A_400], %parallel_loop3A_403 {strides = array<i32>} : memref<200x128xf32, #tpu.memory_space<vmem>>, vector<1x16xf32>,
      } {sc.loop_unroll_factor = 4 : i64, sc.parallel_access}
      %mul3A_190 = arith.constant 200 : i32
      %mul3A_191 = arith.muli %add3A_145, %mul3A_190 : i32
      %add3A_192 = arith.addi %mul3A_2, %mul3A_191 : i32
      %dma_start3A_193 = arith.constant 0 : i32
      %dma_start3A_194 = tpu.memref_slice %arg5[%add3A_192, %dma_start3A_193] : memref<819200x128xf32, #tpu.memory_space<hbm>> -> memref<200x128xf32, #tpu.memory_space<hbm>>
      %dma_start3A_195 = arith.constant 0 : i32
      %dma_start3A_196 = tpu.memref_slice %arg5[%add3A_192, %dma_start3A_195] : memref<819200x128xf32, #tpu.memory_space<hbm>> -> memref<200x128xf32, #tpu.memory_space<hbm>>
      tpu.enqueue_dma source(%arg12 : memref<200x128xf32, #tpu.memory_space<vmem>>) target(%dma_start3A_196 : memref<200x128xf32, #tpu.memory_space<hbm>>) target_semaphore(%arg28 : memref<!tpu.dma_semaphore, #tpu.memory_space<semaphore_mem>>)
      %mul3A_197 = arith.constant 4 : i32
      %mul3A_198 = arith.muli %scan3A_88, %mul3A_197 : i32
      %add3A_199 = arith.constant 2 : i32
      %add3A_200 = arith.addi %mul3A_198, %add3A_199 : i32
      %add3A_201 = arith.constant 2 : i32
      %add3A_202 = arith.addi %add3A_200, %add3A_201 : i32
      %add3A_203 = arith.constant 3 : i32
      %add3A_204 = arith.addi %add3A_200, %add3A_203 : i32
      %lt3A_205 = arith.constant 128 : i32
      %lt3A_206 = arith.cmpi slt, %add3A_204, %lt3A_205 : i32
      %convert_element_type3A_207 = arith.extui %lt3A_206 : i1 to i32
      %cond3A_208 = arith.constant 0 : i32
      %cond3A_209 = arith.cmpi ne, %convert_element_type3A_207, %cond3A_208 : i32
      scf.if %cond3A_209 {
        %dma_start3A_307 = arith.constant 0 : i32
        %dma_start3A_308 = arith.constant 0 : i32
        %dma_start3A_309 = tpu.memref_slice %arg3[%add3A, %add3A_204, %dma_start3A_307, %dma_start3A_308] : memref<32x128x2x100xi32, #tpu.memory_space<hbm>> -> memref<1x1x2x100xi32, #tpu.memory_space<hbm>>
        %dma_start3A_310 = tpu.memref_squeeze %dma_start3A_309 : memref<1x1x2x100xi32, #tpu.memory_space<hbm>> -> memref<2x100xi32, #tpu.memory_space<hbm>>
        %dma_start3A_311 = arith.constant 0 : i32
        %dma_start3A_312 = arith.constant 0 : i32
        %dma_start3A_313 = tpu.memref_slice %arg3[%add3A, %add3A_204, %dma_start3A_311, %dma_start3A_312] : memref<32x128x2x100xi32, #tpu.memory_space<hbm>> -> memref<1x1x2x100xi32, #tpu.memory_space<hbm>>
        %dma_start3A_314 = tpu.memref_squeeze %dma_start3A_313 : memref<1x1x2x100xi32, #tpu.memory_space<hbm>> -> memref<2x100xi32, #tpu.memory_space<hbm>>
        tpu.enqueue_dma source(%dma_start3A_314 : memref<2x100xi32, #tpu.memory_space<hbm>>) target(%arg7 : memref<2x100xi32, #tpu.memory_space<vmem>>) target_semaphore(%arg16 : memref<!tpu.dma_semaphore, #tpu.memory_space<semaphore_mem>>)
      } else {
      }
      %lt3A_210 = arith.constant 128 : i32
      %lt3A_211 = arith.cmpi slt, %add3A_202, %lt3A_210 : i32
      %convert_element_type3A_212 = arith.extui %lt3A_211 : i1 to i32
      %cond3A_213 = arith.constant 0 : i32
      %cond3A_214 = arith.cmpi ne, %convert_element_type3A_212, %cond3A_213 : i32
      scf.if %cond3A_214 {
        %ge3A = arith.constant 2 : i32
        %ge3A_307 = arith.cmpi sge, %add3A_200, %ge3A : i32
        %convert_element_type3A_308 = arith.extui %ge3A_307 : i1 to i32
        %cond3A_309 = arith.constant 0 : i32
        %cond3A_310 = arith.cmpi ne, %convert_element_type3A_308, %cond3A_309 : i32
        scf.if %cond3A_310 {
          %sub3A = arith.constant 4 : i32
          %sub3A_311 = arith.subi %add3A_202, %sub3A : i32
          %mul3A_312 = arith.constant 200 : i32
          %mul3A_313 = arith.muli %sub3A_311, %mul3A_312 : i32
          %add3A_314 = arith.addi %mul3A_2, %mul3A_313 : i32
          %dma_wait3A_315 = arith.constant 0 : i32
          %dma_wait3A_316 = tpu.memref_slice %arg5[%add3A_314, %dma_wait3A_315] : memref<819200x128xf32, #tpu.memory_space<hbm>> -> memref<200x128xf32, #tpu.memory_space<hbm>>
          %dma_wait3A_317 = arith.constant 0 : i32
          %dma_wait3A_318 = tpu.memref_slice %arg5[%add3A_314, %dma_wait3A_317] : memref<819200x128xf32, #tpu.memory_space<hbm>> -> memref<200x128xf32, #tpu.memory_space<hbm>>
          tpu.wait_dma2 semaphore(%arg27 : memref<!tpu.dma_semaphore, #tpu.memory_space<semaphore_mem>>) src(%arg11 : memref<200x128xf32, #tpu.memory_space<vmem>>) dst(%dma_wait3A_318 : memref<200x128xf32, #tpu.memory_space<hbm>>)
        } else {
        }
        tpu.enqueue_dma source(%arg10 : memref<200x128xf32, #tpu.memory_space<vmem_shared>>) target(%arg11 : memref<200x128xf32, #tpu.memory_space<vmem>>) target_semaphore(%arg19 : memref<!tpu.dma_semaphore, #tpu.memory_space<semaphore_mem>>)
      } else {
      }
      %add3A_215 = arith.constant 1 : i32
      %add3A_216 = arith.addi %add3A_200, %add3A_215 : i32
      %lt3A_217 = arith.constant 128 : i32
      %lt3A_218 = arith.cmpi slt, %add3A_216, %lt3A_217 : i32
      %convert_element_type3A_219 = arith.extui %lt3A_218 : i1 to i32
      %cond3A_220 = arith.constant 0 : i32
      %cond3A_221 = arith.cmpi ne, %convert_element_type3A_219, %cond3A_220 : i32
      scf.if %cond3A_221 {
        %dma_wait3A_307 = arith.constant 0 : i32
        %dma_wait3A_308 = arith.constant 0 : i32
        %dma_wait3A_309 = tpu.memref_slice %arg3[%add3A, %add3A_216, %dma_wait3A_307, %dma_wait3A_308] : memref<32x128x2x100xi32, #tpu.memory_space<hbm>> -> memref<1x1x2x100xi32, #tpu.memory_space<hbm>>
        %dma_wait3A_310 = tpu.memref_squeeze %dma_wait3A_309 : memref<1x1x2x100xi32, #tpu.memory_space<hbm>> -> memref<2x100xi32, #tpu.memory_space<hbm>>
        %dma_wait3A_311 = arith.constant 0 : i32
        %dma_wait3A_312 = arith.constant 0 : i32
        %dma_wait3A_313 = tpu.memref_slice %arg3[%add3A, %add3A_216, %dma_wait3A_311, %dma_wait3A_312] : memref<32x128x2x100xi32, #tpu.memory_space<hbm>> -> memref<1x1x2x100xi32, #tpu.memory_space<hbm>>
        %dma_wait3A_314 = tpu.memref_squeeze %dma_wait3A_313 : memref<1x1x2x100xi32, #tpu.memory_space<hbm>> -> memref<2x100xi32, #tpu.memory_space<hbm>>
        tpu.wait_dma2 semaphore(%arg18 : memref<!tpu.dma_semaphore, #tpu.memory_space<semaphore_mem>>) src(%dma_wait3A_314 : memref<2x100xi32, #tpu.memory_space<hbm>>) dst(%arg9 : memref<2x100xi32, #tpu.memory_space<vmem>>)
        tpu.wait_dma2 semaphore(%arg22 : memref<!tpu.dma_semaphore, #tpu.memory_space<semaphore_mem>>) src(%arg10 : memref<200x128xf32, #tpu.memory_space<vmem_shared>>) dst(%arg14 : memref<200x128xf32, #tpu.memory_space<vmem>>)
        %dma_start3A_315 = arith.constant 0 : i32
        %dma_start3A_316 = arith.constant 0 : i32
        %dma_start3A_317 = arith.constant 0 : i32
        %dma_start3A_318 = tpu.memref_slice %arg14[%dma_start3A_316, %dma_start3A_317] : memref<200x128xf32, #tpu.memory_space<vmem>> -> memref<100x128xf32, #tpu.memory_space<vmem>>
        %dma_start3A_319 = arith.constant 0 : i32
        %dma_start3A_320 = tpu.memref_slice %arg9[%dma_start3A_315, %dma_start3A_319] : memref<2x100xi32, #tpu.memory_space<vmem>> -> memref<1x100xi32, #tpu.memory_space<vmem>>
        %dma_start3A_321 = tpu.memref_squeeze %dma_start3A_320 : memref<1x100xi32, #tpu.memory_space<vmem>> -> memref<100xi32, #tpu.memory_space<vmem>>
        %dma_start3A_322 = arith.constant 0 : i32
        %dma_start3A_323 = arith.constant 0 : i32
        %dma_start3A_324 = tpu.memref_slice %arg2[%dma_start3A_322, %dma_start3A_323] : memref<1000000x128xf32, #tpu.memory_space<hbm>> -> memref<1000000x128xf32, #tpu.memory_space<hbm>>
        tpu.enqueue_indirect_dma source(%dma_start3A_324 : memref<1000000x128xf32, #tpu.memory_space<hbm>>) target(%dma_start3A_318 : memref<100x128xf32, #tpu.memory_space<vmem>>) offsets(%dma_start3A_321 : memref<100xi32, #tpu.memory_space<vmem>>) semaphore(%arg26 : memref<!tpu.dma_semaphore, #tpu.memory_space<semaphore_mem>>) {add = true}
        %dma_start3A_325 = arith.constant 1 : i32
        %dma_start3A_326 = arith.constant 100 : i32
        %dma_start3A_327 = arith.constant 0 : i32
        %dma_start3A_328 = tpu.memref_slice %arg14[%dma_start3A_326, %dma_start3A_327] : memref<200x128xf32, #tpu.memory_space<vmem>> -> memref<100x128xf32, #tpu.memory_space<vmem>>
        %dma_start3A_329 = arith.constant 0 : i32
        %dma_start3A_330 = tpu.memref_slice %arg9[%dma_start3A_325, %dma_start3A_329] : memref<2x100xi32, #tpu.memory_space<vmem>> -> memref<1x100xi32, #tpu.memory_space<vmem>>
        %dma_start3A_331 = tpu.memref_squeeze %dma_start3A_330 : memref<1x100xi32, #tpu.memory_space<vmem>> -> memref<100xi32, #tpu.memory_space<vmem>>
        %dma_start3A_332 = arith.constant 0 : i32
        %dma_start3A_333 = arith.constant 0 : i32
        %dma_start3A_334 = tpu.memref_slice %arg2[%dma_start3A_332, %dma_start3A_333] : memref<1000000x128xf32, #tpu.memory_space<hbm>> -> memref<1000000x128xf32, #tpu.memory_space<hbm>>
        tpu.enqueue_indirect_dma source(%dma_start3A_334 : memref<1000000x128xf32, #tpu.memory_space<hbm>>) target(%dma_start3A_328 : memref<100x128xf32, #tpu.memory_space<vmem>>) offsets(%dma_start3A_331 : memref<100xi32, #tpu.memory_space<vmem>>) semaphore(%arg26 : memref<!tpu.dma_semaphore, #tpu.memory_space<semaphore_mem>>) {add = true}
      } else {
      }
      %dma_wait3A_222 = arith.constant 0 : i32
      %dma_wait3A_223 = arith.constant 0 : i32
      %dma_wait3A_224 = arith.constant 0 : i32
      %dma_wait3A_225 = tpu.memref_slice %arg13[%dma_wait3A_223, %dma_wait3A_224] : memref<200x128xf32, #tpu.memory_space<vmem>> -> memref<100x128xf32, #tpu.memory_space<vmem>>
      %dma_wait3A_226 = arith.constant 0 : i32
      %dma_wait3A_227 = tpu.memref_slice %arg8[%dma_wait3A_222, %dma_wait3A_226] : memref<2x100xi32, #tpu.memory_space<vmem>> -> memref<1x100xi32, #tpu.memory_space<vmem>>
      %dma_wait3A_228 = tpu.memref_squeeze %dma_wait3A_227 : memref<1x100xi32, #tpu.memory_space<vmem>> -> memref<100xi32, #tpu.memory_space<vmem>>
      %dma_wait3A_229 = arith.constant 0 : i32
      %dma_wait3A_230 = arith.constant 0 : i32
      %dma_wait3A_231 = tpu.memref_slice %arg2[%dma_wait3A_229, %dma_wait3A_230] : memref<1000000x128xf32, #tpu.memory_space<hbm>> -> memref<1000000x128xf32, #tpu.memory_space<hbm>>
      tpu.wait_indirect_dma semaphore(%arg25 : memref<!tpu.dma_semaphore, #tpu.memory_space<semaphore_mem>>) src(%dma_wait3A_231 : memref<1000000x128xf32, #tpu.memory_space<hbm>>) dst(%dma_wait3A_225 : memref<100x128xf32, #tpu.memory_space<vmem>>)
      %dma_wait3A_232 = arith.constant 1 : i32
      %dma_wait3A_233 = arith.constant 100 : i32
      %dma_wait3A_234 = arith.constant 0 : i32
      %dma_wait3A_235 = tpu.memref_slice %arg13[%dma_wait3A_233, %dma_wait3A_234] : memref<200x128xf32, #tpu.memory_space<vmem>> -> memref<100x128xf32, #tpu.memory_space<vmem>>
      %dma_wait3A_236 = arith.constant 0 : i32
      %dma_wait3A_237 = tpu.memref_slice %arg8[%dma_wait3A_232, %dma_wait3A_236] : memref<2x100xi32, #tpu.memory_space<vmem>> -> memref<1x100xi32, #tpu.memory_space<vmem>>
      %dma_wait3A_238 = tpu.memref_squeeze %dma_wait3A_237 : memref<1x100xi32, #tpu.memory_space<vmem>> -> memref<100xi32, #tpu.memory_space<vmem>>
      %dma_wait3A_239 = arith.constant 0 : i32
      %dma_wait3A_240 = arith.constant 0 : i32
      %dma_wait3A_241 = tpu.memref_slice %arg2[%dma_wait3A_239, %dma_wait3A_240] : memref<1000000x128xf32, #tpu.memory_space<hbm>> -> memref<1000000x128xf32, #tpu.memory_space<hbm>>
      tpu.wait_indirect_dma semaphore(%arg25 : memref<!tpu.dma_semaphore, #tpu.memory_space<semaphore_mem>>) src(%dma_wait3A_241 : memref<1000000x128xf32, #tpu.memory_space<hbm>>) dst(%dma_wait3A_235 : memref<100x128xf32, #tpu.memory_space<vmem>>)
      %parallel_loop3A_242 = arith.constant 0 : i32
      %parallel_loop3A_243 = arith.constant 200 : i32
      %parallel_loop3A_244 = arith.constant 1 : i32
      scf.for %parallel_loop3A_307 = %parallel_loop3A_242 to %parallel_loop3A_243 step %parallel_loop3A_244  : i32 {
        %parallel_loop3A_308 = arith.index_cast %parallel_loop3A_307 : i32 to index
        %parallel_loop3A_309 = arith.constant 0 : index
        %parallel_loop3A_310 = tpu.vector_load %arg13[%parallel_loop3A_308, %parallel_loop3A_309] {strides = array<i32>} : memref<200x128xf32, #tpu.memory_space<vmem>>, vector<1x16xf32>,
        %parallel_loop3A_311 = vector.shape_cast %parallel_loop3A_310 : vector<1x16xf32> to vector<16xf32>
        %parallel_loop3A_312 = arith.constant 11.3137083 : f32
        %parallel_loop3A_313 = vector.broadcast %parallel_loop3A_312 : f32 to vector<16xf32>
        %parallel_loop3A_314 = arith.mulf %parallel_loop3A_311, %parallel_loop3A_313 : vector<16xf32>
        %parallel_loop3A_315 = arith.index_cast %parallel_loop3A_307 : i32 to index
        %parallel_loop3A_316 = arith.constant 0 : index
        %parallel_loop3A_317 = tpu.vector_load %arg13[%parallel_loop3A_315, %parallel_loop3A_316] {strides = array<i32>} : memref<200x128xf32, #tpu.memory_space<vmem>>, vector<1x16xf32>,
        %parallel_loop3A_318 = vector.shape_cast %parallel_loop3A_317 : vector<1x16xf32> to vector<16xf32>
        %parallel_loop3A_319 = vector.shape_cast %parallel_loop3A_314 : vector<16xf32> to vector<1x16xf32>
        tpu.vector_store %arg13[%parallel_loop3A_315, %parallel_loop3A_316], %parallel_loop3A_319 {strides = array<i32>} : memref<200x128xf32, #tpu.memory_space<vmem>>, vector<1x16xf32>,
        %parallel_loop3A_320 = arith.index_cast %parallel_loop3A_307 : i32 to index
        %parallel_loop3A_321 = arith.constant 16 : index
        %parallel_loop3A_322 = tpu.vector_load %arg13[%parallel_loop3A_320, %parallel_loop3A_321] {strides = array<i32>} : memref<200x128xf32, #tpu.memory_space<vmem>>, vector<1x16xf32>,
        %parallel_loop3A_323 = vector.shape_cast %parallel_loop3A_322 : vector<1x16xf32> to vector<16xf32>
        %parallel_loop3A_324 = arith.constant 11.3137083 : f32
        %parallel_loop3A_325 = vector.broadcast %parallel_loop3A_324 : f32 to vector<16xf32>
        %parallel_loop3A_326 = arith.mulf %parallel_loop3A_323, %parallel_loop3A_325 : vector<16xf32>
        %parallel_loop3A_327 = arith.index_cast %parallel_loop3A_307 : i32 to index
        %parallel_loop3A_328 = arith.constant 16 : index
        %parallel_loop3A_329 = tpu.vector_load %arg13[%parallel_loop3A_327, %parallel_loop3A_328] {strides = array<i32>} : memref<200x128xf32, #tpu.memory_space<vmem>>, vector<1x16xf32>,
        %parallel_loop3A_330 = vector.shape_cast %parallel_loop3A_329 : vector<1x16xf32> to vector<16xf32>
        %parallel_loop3A_331 = vector.shape_cast %parallel_loop3A_326 : vector<16xf32> to vector<1x16xf32>
        tpu.vector_store %arg13[%parallel_loop3A_327, %parallel_loop3A_328], %parallel_loop3A_331 {strides = array<i32>} : memref<200x128xf32, #tpu.memory_space<vmem>>, vector<1x16xf32>,
        %parallel_loop3A_332 = arith.index_cast %parallel_loop3A_307 : i32 to index
        %parallel_loop3A_333 = arith.constant 32 : index
        %parallel_loop3A_334 = tpu.vector_load %arg13[%parallel_loop3A_332, %parallel_loop3A_333] {strides = array<i32>} : memref<200x128xf32, #tpu.memory_space<vmem>>, vector<1x16xf32>,
        %parallel_loop3A_335 = vector.shape_cast %parallel_loop3A_334 : vector<1x16xf32> to vector<16xf32>
        %parallel_loop3A_336 = arith.constant 11.3137083 : f32
        %parallel_loop3A_337 = vector.broadcast %parallel_loop3A_336 : f32 to vector<16xf32>
        %parallel_loop3A_338 = arith.mulf %parallel_loop3A_335, %parallel_loop3A_337 : vector<16xf32>
        %parallel_loop3A_339 = arith.index_cast %parallel_loop3A_307 : i32 to index
        %parallel_loop3A_340 = arith.constant 32 : index
        %parallel_loop3A_341 = tpu.vector_load %arg13[%parallel_loop3A_339, %parallel_loop3A_340] {strides = array<i32>} : memref<200x128xf32, #tpu.memory_space<vmem>>, vector<1x16xf32>,
        %parallel_loop3A_342 = vector.shape_cast %parallel_loop3A_341 : vector<1x16xf32> to vector<16xf32>
        %parallel_loop3A_343 = vector.shape_cast %parallel_loop3A_338 : vector<16xf32> to vector<1x16xf32>
        tpu.vector_store %arg13[%parallel_loop3A_339, %parallel_loop3A_340], %parallel_loop3A_343 {strides = array<i32>} : memref<200x128xf32, #tpu.memory_space<vmem>>, vector<1x16xf32>,
        %parallel_loop3A_344 = arith.index_cast %parallel_loop3A_307 : i32 to index
        %parallel_loop3A_345 = arith.constant 48 : index
        %parallel_loop3A_346 = tpu.vector_load %arg13[%parallel_loop3A_344, %parallel_loop3A_345] {strides = array<i32>} : memref<200x128xf32, #tpu.memory_space<vmem>>, vector<1x16xf32>,
        %parallel_loop3A_347 = vector.shape_cast %parallel_loop3A_346 : vector<1x16xf32> to vector<16xf32>
        %parallel_loop3A_348 = arith.constant 11.3137083 : f32
        %parallel_loop3A_349 = vector.broadcast %parallel_loop3A_348 : f32 to vector<16xf32>
        %parallel_loop3A_350 = arith.mulf %parallel_loop3A_347, %parallel_loop3A_349 : vector<16xf32>
        %parallel_loop3A_351 = arith.index_cast %parallel_loop3A_307 : i32 to index
        %parallel_loop3A_352 = arith.constant 48 : index
        %parallel_loop3A_353 = tpu.vector_load %arg13[%parallel_loop3A_351, %parallel_loop3A_352] {strides = array<i32>} : memref<200x128xf32, #tpu.memory_space<vmem>>, vector<1x16xf32>,
        %parallel_loop3A_354 = vector.shape_cast %parallel_loop3A_353 : vector<1x16xf32> to vector<16xf32>
        %parallel_loop3A_355 = vector.shape_cast %parallel_loop3A_350 : vector<16xf32> to vector<1x16xf32>
        tpu.vector_store %arg13[%parallel_loop3A_351, %parallel_loop3A_352], %parallel_loop3A_355 {strides = array<i32>} : memref<200x128xf32, #tpu.memory_space<vmem>>, vector<1x16xf32>,
        %parallel_loop3A_356 = arith.index_cast %parallel_loop3A_307 : i32 to index
        %parallel_loop3A_357 = arith.constant 64 : index
        %parallel_loop3A_358 = tpu.vector_load %arg13[%parallel_loop3A_356, %parallel_loop3A_357] {strides = array<i32>} : memref<200x128xf32, #tpu.memory_space<vmem>>, vector<1x16xf32>,
        %parallel_loop3A_359 = vector.shape_cast %parallel_loop3A_358 : vector<1x16xf32> to vector<16xf32>
        %parallel_loop3A_360 = arith.constant 11.3137083 : f32
        %parallel_loop3A_361 = vector.broadcast %parallel_loop3A_360 : f32 to vector<16xf32>
        %parallel_loop3A_362 = arith.mulf %parallel_loop3A_359, %parallel_loop3A_361 : vector<16xf32>
        %parallel_loop3A_363 = arith.index_cast %parallel_loop3A_307 : i32 to index
        %parallel_loop3A_364 = arith.constant 64 : index
        %parallel_loop3A_365 = tpu.vector_load %arg13[%parallel_loop3A_363, %parallel_loop3A_364] {strides = array<i32>} : memref<200x128xf32, #tpu.memory_space<vmem>>, vector<1x16xf32>,
        %parallel_loop3A_366 = vector.shape_cast %parallel_loop3A_365 : vector<1x16xf32> to vector<16xf32>
        %parallel_loop3A_367 = vector.shape_cast %parallel_loop3A_362 : vector<16xf32> to vector<1x16xf32>
        tpu.vector_store %arg13[%parallel_loop3A_363, %parallel_loop3A_364], %parallel_loop3A_367 {strides = array<i32>} : memref<200x128xf32, #tpu.memory_space<vmem>>, vector<1x16xf32>,
        %parallel_loop3A_368 = arith.index_cast %parallel_loop3A_307 : i32 to index
        %parallel_loop3A_369 = arith.constant 80 : index
        %parallel_loop3A_370 = tpu.vector_load %arg13[%parallel_loop3A_368, %parallel_loop3A_369] {strides = array<i32>} : memref<200x128xf32, #tpu.memory_space<vmem>>, vector<1x16xf32>,
        %parallel_loop3A_371 = vector.shape_cast %parallel_loop3A_370 : vector<1x16xf32> to vector<16xf32>
        %parallel_loop3A_372 = arith.constant 11.3137083 : f32
        %parallel_loop3A_373 = vector.broadcast %parallel_loop3A_372 : f32 to vector<16xf32>
        %parallel_loop3A_374 = arith.mulf %parallel_loop3A_371, %parallel_loop3A_373 : vector<16xf32>
        %parallel_loop3A_375 = arith.index_cast %parallel_loop3A_307 : i32 to index
        %parallel_loop3A_376 = arith.constant 80 : index
        %parallel_loop3A_377 = tpu.vector_load %arg13[%parallel_loop3A_375, %parallel_loop3A_376] {strides = array<i32>} : memref<200x128xf32, #tpu.memory_space<vmem>>, vector<1x16xf32>,
        %parallel_loop3A_378 = vector.shape_cast %parallel_loop3A_377 : vector<1x16xf32> to vector<16xf32>
        %parallel_loop3A_379 = vector.shape_cast %parallel_loop3A_374 : vector<16xf32> to vector<1x16xf32>
        tpu.vector_store %arg13[%parallel_loop3A_375, %parallel_loop3A_376], %parallel_loop3A_379 {strides = array<i32>} : memref<200x128xf32, #tpu.memory_space<vmem>>, vector<1x16xf32>,
        %parallel_loop3A_380 = arith.index_cast %parallel_loop3A_307 : i32 to index
        %parallel_loop3A_381 = arith.constant 96 : index
        %parallel_loop3A_382 = tpu.vector_load %arg13[%parallel_loop3A_380, %parallel_loop3A_381] {strides = array<i32>} : memref<200x128xf32, #tpu.memory_space<vmem>>, vector<1x16xf32>,
        %parallel_loop3A_383 = vector.shape_cast %parallel_loop3A_382 : vector<1x16xf32> to vector<16xf32>
        %parallel_loop3A_384 = arith.constant 11.3137083 : f32
        %parallel_loop3A_385 = vector.broadcast %parallel_loop3A_384 : f32 to vector<16xf32>
        %parallel_loop3A_386 = arith.mulf %parallel_loop3A_383, %parallel_loop3A_385 : vector<16xf32>
        %parallel_loop3A_387 = arith.index_cast %parallel_loop3A_307 : i32 to index
        %parallel_loop3A_388 = arith.constant 96 : index
        %parallel_loop3A_389 = tpu.vector_load %arg13[%parallel_loop3A_387, %parallel_loop3A_388] {strides = array<i32>} : memref<200x128xf32, #tpu.memory_space<vmem>>, vector<1x16xf32>,
        %parallel_loop3A_390 = vector.shape_cast %parallel_loop3A_389 : vector<1x16xf32> to vector<16xf32>
        %parallel_loop3A_391 = vector.shape_cast %parallel_loop3A_386 : vector<16xf32> to vector<1x16xf32>
        tpu.vector_store %arg13[%parallel_loop3A_387, %parallel_loop3A_388], %parallel_loop3A_391 {strides = array<i32>} : memref<200x128xf32, #tpu.memory_space<vmem>>, vector<1x16xf32>,
        %parallel_loop3A_392 = arith.index_cast %parallel_loop3A_307 : i32 to index
        %parallel_loop3A_393 = arith.constant 112 : index
        %parallel_loop3A_394 = tpu.vector_load %arg13[%parallel_loop3A_392, %parallel_loop3A_393] {strides = array<i32>} : memref<200x128xf32, #tpu.memory_space<vmem>>, vector<1x16xf32>,
        %parallel_loop3A_395 = vector.shape_cast %parallel_loop3A_394 : vector<1x16xf32> to vector<16xf32>
        %parallel_loop3A_396 = arith.constant 11.3137083 : f32
        %parallel_loop3A_397 = vector.broadcast %parallel_loop3A_396 : f32 to vector<16xf32>
        %parallel_loop3A_398 = arith.mulf %parallel_loop3A_395, %parallel_loop3A_397 : vector<16xf32>
        %parallel_loop3A_399 = arith.index_cast %parallel_loop3A_307 : i32 to index
        %parallel_loop3A_400 = arith.constant 112 : index
        %parallel_loop3A_401 = tpu.vector_load %arg13[%parallel_loop3A_399, %parallel_loop3A_400] {strides = array<i32>} : memref<200x128xf32, #tpu.memory_space<vmem>>, vector<1x16xf32>,
        %parallel_loop3A_402 = vector.shape_cast %parallel_loop3A_401 : vector<1x16xf32> to vector<16xf32>
        %parallel_loop3A_403 = vector.shape_cast %parallel_loop3A_398 : vector<16xf32> to vector<1x16xf32>
        tpu.vector_store %arg13[%parallel_loop3A_399, %parallel_loop3A_400], %parallel_loop3A_403 {strides = array<i32>} : memref<200x128xf32, #tpu.memory_space<vmem>>, vector<1x16xf32>,
      } {sc.loop_unroll_factor = 4 : i64, sc.parallel_access}
      %mul3A_245 = arith.constant 200 : i32
      %mul3A_246 = arith.muli %add3A_200, %mul3A_245 : i32
      %add3A_247 = arith.addi %mul3A_2, %mul3A_246 : i32
      %dma_start3A_248 = arith.constant 0 : i32
      %dma_start3A_249 = tpu.memref_slice %arg5[%add3A_247, %dma_start3A_248] : memref<819200x128xf32, #tpu.memory_space<hbm>> -> memref<200x128xf32, #tpu.memory_space<hbm>>
      %dma_start3A_250 = arith.constant 0 : i32
      %dma_start3A_251 = tpu.memref_slice %arg5[%add3A_247, %dma_start3A_250] : memref<819200x128xf32, #tpu.memory_space<hbm>> -> memref<200x128xf32, #tpu.memory_space<hbm>>
      tpu.enqueue_dma source(%arg13 : memref<200x128xf32, #tpu.memory_space<vmem>>) target(%dma_start3A_251 : memref<200x128xf32, #tpu.memory_space<hbm>>) target_semaphore(%arg29 : memref<!tpu.dma_semaphore, #tpu.memory_space<semaphore_mem>>)
      %mul3A_252 = arith.constant 4 : i32
      %mul3A_253 = arith.muli %scan3A_88, %mul3A_252 : i32
      %add3A_254 = arith.constant 3 : i32
      %add3A_255 = arith.addi %mul3A_253, %add3A_254 : i32
      %add3A_256 = arith.constant 2 : i32
      %add3A_257 = arith.addi %add3A_255, %add3A_256 : i32
      %add3A_258 = arith.constant 3 : i32
      %add3A_259 = arith.addi %add3A_255, %add3A_258 : i32
      %lt3A_260 = arith.constant 128 : i32
      %lt3A_261 = arith.cmpi slt, %add3A_259, %lt3A_260 : i32
      %convert_element_type3A_262 = arith.extui %lt3A_261 : i1 to i32
      %cond3A_263 = arith.constant 0 : i32
      %cond3A_264 = arith.cmpi ne, %convert_element_type3A_262, %cond3A_263 : i32
      scf.if %cond3A_264 {
        %dma_start3A_307 = arith.constant 0 : i32
        %dma_start3A_308 = arith.constant 0 : i32
        %dma_start3A_309 = tpu.memref_slice %arg3[%add3A, %add3A_259, %dma_start3A_307, %dma_start3A_308] : memref<32x128x2x100xi32, #tpu.memory_space<hbm>> -> memref<1x1x2x100xi32, #tpu.memory_space<hbm>>
        %dma_start3A_310 = tpu.memref_squeeze %dma_start3A_309 : memref<1x1x2x100xi32, #tpu.memory_space<hbm>> -> memref<2x100xi32, #tpu.memory_space<hbm>>
        %dma_start3A_311 = arith.constant 0 : i32
        %dma_start3A_312 = arith.constant 0 : i32
        %dma_start3A_313 = tpu.memref_slice %arg3[%add3A, %add3A_259, %dma_start3A_311, %dma_start3A_312] : memref<32x128x2x100xi32, #tpu.memory_space<hbm>> -> memref<1x1x2x100xi32, #tpu.memory_space<hbm>>
        %dma_start3A_314 = tpu.memref_squeeze %dma_start3A_313 : memref<1x1x2x100xi32, #tpu.memory_space<hbm>> -> memref<2x100xi32, #tpu.memory_space<hbm>>
        tpu.enqueue_dma source(%dma_start3A_314 : memref<2x100xi32, #tpu.memory_space<hbm>>) target(%arg8 : memref<2x100xi32, #tpu.memory_space<vmem>>) target_semaphore(%arg17 : memref<!tpu.dma_semaphore, #tpu.memory_space<semaphore_mem>>)
      } else {
      }
      %lt3A_265 = arith.constant 128 : i32
      %lt3A_266 = arith.cmpi slt, %add3A_257, %lt3A_265 : i32
      %convert_element_type3A_267 = arith.extui %lt3A_266 : i1 to i32
      %cond3A_268 = arith.constant 0 : i32
      %cond3A_269 = arith.cmpi ne, %convert_element_type3A_267, %cond3A_268 : i32
      scf.if %cond3A_269 {
        %ge3A = arith.constant 2 : i32
        %ge3A_307 = arith.cmpi sge, %add3A_255, %ge3A : i32
        %convert_element_type3A_308 = arith.extui %ge3A_307 : i1 to i32
        %cond3A_309 = arith.constant 0 : i32
        %cond3A_310 = arith.cmpi ne, %convert_element_type3A_308, %cond3A_309 : i32
        scf.if %cond3A_310 {
          %sub3A = arith.constant 4 : i32
          %sub3A_311 = arith.subi %add3A_257, %sub3A : i32
          %mul3A_312 = arith.constant 200 : i32
          %mul3A_313 = arith.muli %sub3A_311, %mul3A_312 : i32
          %add3A_314 = arith.addi %mul3A_2, %mul3A_313 : i32
          %dma_wait3A_315 = arith.constant 0 : i32
          %dma_wait3A_316 = tpu.memref_slice %arg5[%add3A_314, %dma_wait3A_315] : memref<819200x128xf32, #tpu.memory_space<hbm>> -> memref<200x128xf32, #tpu.memory_space<hbm>>
          %dma_wait3A_317 = arith.constant 0 : i32
          %dma_wait3A_318 = tpu.memref_slice %arg5[%add3A_314, %dma_wait3A_317] : memref<819200x128xf32, #tpu.memory_space<hbm>> -> memref<200x128xf32, #tpu.memory_space<hbm>>
          tpu.wait_dma2 semaphore(%arg28 : memref<!tpu.dma_semaphore, #tpu.memory_space<semaphore_mem>>) src(%arg12 : memref<200x128xf32, #tpu.memory_space<vmem>>) dst(%dma_wait3A_318 : memref<200x128xf32, #tpu.memory_space<hbm>>)
        } else {
        }
        tpu.enqueue_dma source(%arg10 : memref<200x128xf32, #tpu.memory_space<vmem_shared>>) target(%arg12 : memref<200x128xf32, #tpu.memory_space<vmem>>) target_semaphore(%arg20 : memref<!tpu.dma_semaphore, #tpu.memory_space<semaphore_mem>>)
      } else {
      }
      %add3A_270 = arith.constant 1 : i32
      %add3A_271 = arith.addi %add3A_255, %add3A_270 : i32
      %lt3A_272 = arith.constant 128 : i32
      %lt3A_273 = arith.cmpi slt, %add3A_271, %lt3A_272 : i32
      %convert_element_type3A_274 = arith.extui %lt3A_273 : i1 to i32
      %cond3A_275 = arith.constant 0 : i32
      %cond3A_276 = arith.cmpi ne, %convert_element_type3A_274, %cond3A_275 : i32
      scf.if %cond3A_276 {
        %dma_wait3A_307 = arith.constant 0 : i32
        %dma_wait3A_308 = arith.constant 0 : i32
        %dma_wait3A_309 = tpu.memref_slice %arg3[%add3A, %add3A_271, %dma_wait3A_307, %dma_wait3A_308] : memref<32x128x2x100xi32, #tpu.memory_space<hbm>> -> memref<1x1x2x100xi32, #tpu.memory_space<hbm>>
        %dma_wait3A_310 = tpu.memref_squeeze %dma_wait3A_309 : memref<1x1x2x100xi32, #tpu.memory_space<hbm>> -> memref<2x100xi32, #tpu.memory_space<hbm>>
        %dma_wait3A_311 = arith.constant 0 : i32
        %dma_wait3A_312 = arith.constant 0 : i32
        %dma_wait3A_313 = tpu.memref_slice %arg3[%add3A, %add3A_271, %dma_wait3A_311, %dma_wait3A_312] : memref<32x128x2x100xi32, #tpu.memory_space<hbm>> -> memref<1x1x2x100xi32, #tpu.memory_space<hbm>>
        %dma_wait3A_314 = tpu.memref_squeeze %dma_wait3A_313 : memref<1x1x2x100xi32, #tpu.memory_space<hbm>> -> memref<2x100xi32, #tpu.memory_space<hbm>>
        tpu.wait_dma2 semaphore(%arg15 : memref<!tpu.dma_semaphore, #tpu.memory_space<semaphore_mem>>) src(%dma_wait3A_314 : memref<2x100xi32, #tpu.memory_space<hbm>>) dst(%arg6 : memref<2x100xi32, #tpu.memory_space<vmem>>)
        tpu.wait_dma2 semaphore(%arg19 : memref<!tpu.dma_semaphore, #tpu.memory_space<semaphore_mem>>) src(%arg10 : memref<200x128xf32, #tpu.memory_space<vmem_shared>>) dst(%arg11 : memref<200x128xf32, #tpu.memory_space<vmem>>)
        %dma_start3A_315 = arith.constant 0 : i32
        %dma_start3A_316 = arith.constant 0 : i32
        %dma_start3A_317 = arith.constant 0 : i32
        %dma_start3A_318 = tpu.memref_slice %arg11[%dma_start3A_316, %dma_start3A_317] : memref<200x128xf32, #tpu.memory_space<vmem>> -> memref<100x128xf32, #tpu.memory_space<vmem>>
        %dma_start3A_319 = arith.constant 0 : i32
        %dma_start3A_320 = tpu.memref_slice %arg6[%dma_start3A_315, %dma_start3A_319] : memref<2x100xi32, #tpu.memory_space<vmem>> -> memref<1x100xi32, #tpu.memory_space<vmem>>
        %dma_start3A_321 = tpu.memref_squeeze %dma_start3A_320 : memref<1x100xi32, #tpu.memory_space<vmem>> -> memref<100xi32, #tpu.memory_space<vmem>>
        %dma_start3A_322 = arith.constant 0 : i32
        %dma_start3A_323 = arith.constant 0 : i32
        %dma_start3A_324 = tpu.memref_slice %arg2[%dma_start3A_322, %dma_start3A_323] : memref<1000000x128xf32, #tpu.memory_space<hbm>> -> memref<1000000x128xf32, #tpu.memory_space<hbm>>
        tpu.enqueue_indirect_dma source(%dma_start3A_324 : memref<1000000x128xf32, #tpu.memory_space<hbm>>) target(%dma_start3A_318 : memref<100x128xf32, #tpu.memory_space<vmem>>) offsets(%dma_start3A_321 : memref<100xi32, #tpu.memory_space<vmem>>) semaphore(%arg23 : memref<!tpu.dma_semaphore, #tpu.memory_space<semaphore_mem>>) {add = true}
        %dma_start3A_325 = arith.constant 1 : i32
        %dma_start3A_326 = arith.constant 100 : i32
        %dma_start3A_327 = arith.constant 0 : i32
        %dma_start3A_328 = tpu.memref_slice %arg11[%dma_start3A_326, %dma_start3A_327] : memref<200x128xf32, #tpu.memory_space<vmem>> -> memref<100x128xf32, #tpu.memory_space<vmem>>
        %dma_start3A_329 = arith.constant 0 : i32
        %dma_start3A_330 = tpu.memref_slice %arg6[%dma_start3A_325, %dma_start3A_329] : memref<2x100xi32, #tpu.memory_space<vmem>> -> memref<1x100xi32, #tpu.memory_space<vmem>>
        %dma_start3A_331 = tpu.memref_squeeze %dma_start3A_330 : memref<1x100xi32, #tpu.memory_space<vmem>> -> memref<100xi32, #tpu.memory_space<vmem>>
        %dma_start3A_332 = arith.constant 0 : i32
        %dma_start3A_333 = arith.constant 0 : i32
        %dma_start3A_334 = tpu.memref_slice %arg2[%dma_start3A_332, %dma_start3A_333] : memref<1000000x128xf32, #tpu.memory_space<hbm>> -> memref<1000000x128xf32, #tpu.memory_space<hbm>>
        tpu.enqueue_indirect_dma source(%dma_start3A_334 : memref<1000000x128xf32, #tpu.memory_space<hbm>>) target(%dma_start3A_328 : memref<100x128xf32, #tpu.memory_space<vmem>>) offsets(%dma_start3A_331 : memref<100xi32, #tpu.memory_space<vmem>>) semaphore(%arg23 : memref<!tpu.dma_semaphore, #tpu.memory_space<semaphore_mem>>) {add = true}
      } else {
      }
      %dma_wait3A_277 = arith.constant 0 : i32
      %dma_wait3A_278 = arith.constant 0 : i32
      %dma_wait3A_279 = arith.constant 0 : i32
      %dma_wait3A_280 = tpu.memref_slice %arg14[%dma_wait3A_278, %dma_wait3A_279] : memref<200x128xf32, #tpu.memory_space<vmem>> -> memref<100x128xf32, #tpu.memory_space<vmem>>
      %dma_wait3A_281 = arith.constant 0 : i32
      %dma_wait3A_282 = tpu.memref_slice %arg9[%dma_wait3A_277, %dma_wait3A_281] : memref<2x100xi32, #tpu.memory_space<vmem>> -> memref<1x100xi32, #tpu.memory_space<vmem>>
      %dma_wait3A_283 = tpu.memref_squeeze %dma_wait3A_282 : memref<1x100xi32, #tpu.memory_space<vmem>> -> memref<100xi32, #tpu.memory_space<vmem>>
      %dma_wait3A_284 = arith.constant 0 : i32
      %dma_wait3A_285 = arith.constant 0 : i32
      %dma_wait3A_286 = tpu.memref_slice %arg2[%dma_wait3A_284, %dma_wait3A_285] : memref<1000000x128xf32, #tpu.memory_space<hbm>> -> memref<1000000x128xf32, #tpu.memory_space<hbm>>
      tpu.wait_indirect_dma semaphore(%arg26 : memref<!tpu.dma_semaphore, #tpu.memory_space<semaphore_mem>>) src(%dma_wait3A_286 : memref<1000000x128xf32, #tpu.memory_space<hbm>>) dst(%dma_wait3A_280 : memref<100x128xf32, #tpu.memory_space<vmem>>)
      %dma_wait3A_287 = arith.constant 1 : i32
      %dma_wait3A_288 = arith.constant 100 : i32
      %dma_wait3A_289 = arith.constant 0 : i32
      %dma_wait3A_290 = tpu.memref_slice %arg14[%dma_wait3A_288, %dma_wait3A_289] : memref<200x128xf32, #tpu.memory_space<vmem>> -> memref<100x128xf32, #tpu.memory_space<vmem>>
      %dma_wait3A_291 = arith.constant 0 : i32
      %dma_wait3A_292 = tpu.memref_slice %arg9[%dma_wait3A_287, %dma_wait3A_291] : memref<2x100xi32, #tpu.memory_space<vmem>> -> memref<1x100xi32, #tpu.memory_space<vmem>>
      %dma_wait3A_293 = tpu.memref_squeeze %dma_wait3A_292 : memref<1x100xi32, #tpu.memory_space<vmem>> -> memref<100xi32, #tpu.memory_space<vmem>>
      %dma_wait3A_294 = arith.constant 0 : i32
      %dma_wait3A_295 = arith.constant 0 : i32
      %dma_wait3A_296 = tpu.memref_slice %arg2[%dma_wait3A_294, %dma_wait3A_295] : memref<1000000x128xf32, #tpu.memory_space<hbm>> -> memref<1000000x128xf32, #tpu.memory_space<hbm>>
      tpu.wait_indirect_dma semaphore(%arg26 : memref<!tpu.dma_semaphore, #tpu.memory_space<semaphore_mem>>) src(%dma_wait3A_296 : memref<1000000x128xf32, #tpu.memory_space<hbm>>) dst(%dma_wait3A_290 : memref<100x128xf32, #tpu.memory_space<vmem>>)
      %parallel_loop3A_297 = arith.constant 0 : i32
      %parallel_loop3A_298 = arith.constant 200 : i32
      %parallel_loop3A_299 = arith.constant 1 : i32
      scf.for %parallel_loop3A_307 = %parallel_loop3A_297 to %parallel_loop3A_298 step %parallel_loop3A_299  : i32 {
        %parallel_loop3A_308 = arith.index_cast %parallel_loop3A_307 : i32 to index
        %parallel_loop3A_309 = arith.constant 0 : index
        %parallel_loop3A_310 = tpu.vector_load %arg14[%parallel_loop3A_308, %parallel_loop3A_309] {strides = array<i32>} : memref<200x128xf32, #tpu.memory_space<vmem>>, vector<1x16xf32>,
        %parallel_loop3A_311 = vector.shape_cast %parallel_loop3A_310 : vector<1x16xf32> to vector<16xf32>
        %parallel_loop3A_312 = arith.constant 11.3137083 : f32
        %parallel_loop3A_313 = vector.broadcast %parallel_loop3A_312 : f32 to vector<16xf32>
        %parallel_loop3A_314 = arith.mulf %parallel_loop3A_311, %parallel_loop3A_313 : vector<16xf32>
        %parallel_loop3A_315 = arith.index_cast %parallel_loop3A_307 : i32 to index
        %parallel_loop3A_316 = arith.constant 0 : index
        %parallel_loop3A_317 = tpu.vector_load %arg14[%parallel_loop3A_315, %parallel_loop3A_316] {strides = array<i32>} : memref<200x128xf32, #tpu.memory_space<vmem>>, vector<1x16xf32>,
        %parallel_loop3A_318 = vector.shape_cast %parallel_loop3A_317 : vector<1x16xf32> to vector<16xf32>
        %parallel_loop3A_319 = vector.shape_cast %parallel_loop3A_314 : vector<16xf32> to vector<1x16xf32>
        tpu.vector_store %arg14[%parallel_loop3A_315, %parallel_loop3A_316], %parallel_loop3A_319 {strides = array<i32>} : memref<200x128xf32, #tpu.memory_space<vmem>>, vector<1x16xf32>,
        %parallel_loop3A_320 = arith.index_cast %parallel_loop3A_307 : i32 to index
        %parallel_loop3A_321 = arith.constant 16 : index
        %parallel_loop3A_322 = tpu.vector_load %arg14[%parallel_loop3A_320, %parallel_loop3A_321] {strides = array<i32>} : memref<200x128xf32, #tpu.memory_space<vmem>>, vector<1x16xf32>,
        %parallel_loop3A_323 = vector.shape_cast %parallel_loop3A_322 : vector<1x16xf32> to vector<16xf32>
        %parallel_loop3A_324 = arith.constant 11.3137083 : f32
        %parallel_loop3A_325 = vector.broadcast %parallel_loop3A_324 : f32 to vector<16xf32>
        %parallel_loop3A_326 = arith.mulf %parallel_loop3A_323, %parallel_loop3A_325 : vector<16xf32>
        %parallel_loop3A_327 = arith.index_cast %parallel_loop3A_307 : i32 to index
        %parallel_loop3A_328 = arith.constant 16 : index
        %parallel_loop3A_329 = tpu.vector_load %arg14[%parallel_loop3A_327, %parallel_loop3A_328] {strides = array<i32>} : memref<200x128xf32, #tpu.memory_space<vmem>>, vector<1x16xf32>,
        %parallel_loop3A_330 = vector.shape_cast %parallel_loop3A_329 : vector<1x16xf32> to vector<16xf32>
        %parallel_loop3A_331 = vector.shape_cast %parallel_loop3A_326 : vector<16xf32> to vector<1x16xf32>
        tpu.vector_store %arg14[%parallel_loop3A_327, %parallel_loop3A_328], %parallel_loop3A_331 {strides = array<i32>} : memref<200x128xf32, #tpu.memory_space<vmem>>, vector<1x16xf32>,
        %parallel_loop3A_332 = arith.index_cast %parallel_loop3A_307 : i32 to index
        %parallel_loop3A_333 = arith.constant 32 : index
        %parallel_loop3A_334 = tpu.vector_load %arg14[%parallel_loop3A_332, %parallel_loop3A_333] {strides = array<i32>} : memref<200x128xf32, #tpu.memory_space<vmem>>, vector<1x16xf32>,
        %parallel_loop3A_335 = vector.shape_cast %parallel_loop3A_334 : vector<1x16xf32> to vector<16xf32>
        %parallel_loop3A_336 = arith.constant 11.3137083 : f32
        %parallel_loop3A_337 = vector.broadcast %parallel_loop3A_336 : f32 to vector<16xf32>
        %parallel_loop3A_338 = arith.mulf %parallel_loop3A_335, %parallel_loop3A_337 : vector<16xf32>
        %parallel_loop3A_339 = arith.index_cast %parallel_loop3A_307 : i32 to index
        %parallel_loop3A_340 = arith.constant 32 : index
        %parallel_loop3A_341 = tpu.vector_load %arg14[%parallel_loop3A_339, %parallel_loop3A_340] {strides = array<i32>} : memref<200x128xf32, #tpu.memory_space<vmem>>, vector<1x16xf32>,
        %parallel_loop3A_342 = vector.shape_cast %parallel_loop3A_341 : vector<1x16xf32> to vector<16xf32>
        %parallel_loop3A_343 = vector.shape_cast %parallel_loop3A_338 : vector<16xf32> to vector<1x16xf32>
        tpu.vector_store %arg14[%parallel_loop3A_339, %parallel_loop3A_340], %parallel_loop3A_343 {strides = array<i32>} : memref<200x128xf32, #tpu.memory_space<vmem>>, vector<1x16xf32>,
        %parallel_loop3A_344 = arith.index_cast %parallel_loop3A_307 : i32 to index
        %parallel_loop3A_345 = arith.constant 48 : index
        %parallel_loop3A_346 = tpu.vector_load %arg14[%parallel_loop3A_344, %parallel_loop3A_345] {strides = array<i32>} : memref<200x128xf32, #tpu.memory_space<vmem>>, vector<1x16xf32>,
        %parallel_loop3A_347 = vector.shape_cast %parallel_loop3A_346 : vector<1x16xf32> to vector<16xf32>
        %parallel_loop3A_348 = arith.constant 11.3137083 : f32
        %parallel_loop3A_349 = vector.broadcast %parallel_loop3A_348 : f32 to vector<16xf32>
        %parallel_loop3A_350 = arith.mulf %parallel_loop3A_347, %parallel_loop3A_349 : vector<16xf32>
        %parallel_loop3A_351 = arith.index_cast %parallel_loop3A_307 : i32 to index
        %parallel_loop3A_352 = arith.constant 48 : index
        %parallel_loop3A_353 = tpu.vector_load %arg14[%parallel_loop3A_351, %parallel_loop3A_352] {strides = array<i32>} : memref<200x128xf32, #tpu.memory_space<vmem>>, vector<1x16xf32>,
        %parallel_loop3A_354 = vector.shape_cast %parallel_loop3A_353 : vector<1x16xf32> to vector<16xf32>
        %parallel_loop3A_355 = vector.shape_cast %parallel_loop3A_350 : vector<16xf32> to vector<1x16xf32>
        tpu.vector_store %arg14[%parallel_loop3A_351, %parallel_loop3A_352], %parallel_loop3A_355 {strides = array<i32>} : memref<200x128xf32, #tpu.memory_space<vmem>>, vector<1x16xf32>,
        %parallel_loop3A_356 = arith.index_cast %parallel_loop3A_307 : i32 to index
        %parallel_loop3A_357 = arith.constant 64 : index
        %parallel_loop3A_358 = tpu.vector_load %arg14[%parallel_loop3A_356, %parallel_loop3A_357] {strides = array<i32>} : memref<200x128xf32, #tpu.memory_space<vmem>>, vector<1x16xf32>,
        %parallel_loop3A_359 = vector.shape_cast %parallel_loop3A_358 : vector<1x16xf32> to vector<16xf32>
        %parallel_loop3A_360 = arith.constant 11.3137083 : f32
        %parallel_loop3A_361 = vector.broadcast %parallel_loop3A_360 : f32 to vector<16xf32>
        %parallel_loop3A_362 = arith.mulf %parallel_loop3A_359, %parallel_loop3A_361 : vector<16xf32>
        %parallel_loop3A_363 = arith.index_cast %parallel_loop3A_307 : i32 to index
        %parallel_loop3A_364 = arith.constant 64 : index
        %parallel_loop3A_365 = tpu.vector_load %arg14[%parallel_loop3A_363, %parallel_loop3A_364] {strides = array<i32>} : memref<200x128xf32, #tpu.memory_space<vmem>>, vector<1x16xf32>,
        %parallel_loop3A_366 = vector.shape_cast %parallel_loop3A_365 : vector<1x16xf32> to vector<16xf32>
        %parallel_loop3A_367 = vector.shape_cast %parallel_loop3A_362 : vector<16xf32> to vector<1x16xf32>
        tpu.vector_store %arg14[%parallel_loop3A_363, %parallel_loop3A_364], %parallel_loop3A_367 {strides = array<i32>} : memref<200x128xf32, #tpu.memory_space<vmem>>, vector<1x16xf32>,
        %parallel_loop3A_368 = arith.index_cast %parallel_loop3A_307 : i32 to index
        %parallel_loop3A_369 = arith.constant 80 : index
        %parallel_loop3A_370 = tpu.vector_load %arg14[%parallel_loop3A_368, %parallel_loop3A_369] {strides = array<i32>} : memref<200x128xf32, #tpu.memory_space<vmem>>, vector<1x16xf32>,
        %parallel_loop3A_371 = vector.shape_cast %parallel_loop3A_370 : vector<1x16xf32> to vector<16xf32>
        %parallel_loop3A_372 = arith.constant 11.3137083 : f32
        %parallel_loop3A_373 = vector.broadcast %parallel_loop3A_372 : f32 to vector<16xf32>
        %parallel_loop3A_374 = arith.mulf %parallel_loop3A_371, %parallel_loop3A_373 : vector<16xf32>
        %parallel_loop3A_375 = arith.index_cast %parallel_loop3A_307 : i32 to index
        %parallel_loop3A_376 = arith.constant 80 : index
        %parallel_loop3A_377 = tpu.vector_load %arg14[%parallel_loop3A_375, %parallel_loop3A_376] {strides = array<i32>} : memref<200x128xf32, #tpu.memory_space<vmem>>, vector<1x16xf32>,
        %parallel_loop3A_378 = vector.shape_cast %parallel_loop3A_377 : vector<1x16xf32> to vector<16xf32>
        %parallel_loop3A_379 = vector.shape_cast %parallel_loop3A_374 : vector<16xf32> to vector<1x16xf32>
        tpu.vector_store %arg14[%parallel_loop3A_375, %parallel_loop3A_376], %parallel_loop3A_379 {strides = array<i32>} : memref<200x128xf32, #tpu.memory_space<vmem>>, vector<1x16xf32>,
        %parallel_loop3A_380 = arith.index_cast %parallel_loop3A_307 : i32 to index
        %parallel_loop3A_381 = arith.constant 96 : index
        %parallel_loop3A_382 = tpu.vector_load %arg14[%parallel_loop3A_380, %parallel_loop3A_381] {strides = array<i32>} : memref<200x128xf32, #tpu.memory_space<vmem>>, vector<1x16xf32>,
        %parallel_loop3A_383 = vector.shape_cast %parallel_loop3A_382 : vector<1x16xf32> to vector<16xf32>
        %parallel_loop3A_384 = arith.constant 11.3137083 : f32
        %parallel_loop3A_385 = vector.broadcast %parallel_loop3A_384 : f32 to vector<16xf32>
        %parallel_loop3A_386 = arith.mulf %parallel_loop3A_383, %parallel_loop3A_385 : vector<16xf32>
        %parallel_loop3A_387 = arith.index_cast %parallel_loop3A_307 : i32 to index
        %parallel_loop3A_388 = arith.constant 96 : index
        %parallel_loop3A_389 = tpu.vector_load %arg14[%parallel_loop3A_387, %parallel_loop3A_388] {strides = array<i32>} : memref<200x128xf32, #tpu.memory_space<vmem>>, vector<1x16xf32>,
        %parallel_loop3A_390 = vector.shape_cast %parallel_loop3A_389 : vector<1x16xf32> to vector<16xf32>
        %parallel_loop3A_391 = vector.shape_cast %parallel_loop3A_386 : vector<16xf32> to vector<1x16xf32>
        tpu.vector_store %arg14[%parallel_loop3A_387, %parallel_loop3A_388], %parallel_loop3A_391 {strides = array<i32>} : memref<200x128xf32, #tpu.memory_space<vmem>>, vector<1x16xf32>,
        %parallel_loop3A_392 = arith.index_cast %parallel_loop3A_307 : i32 to index
        %parallel_loop3A_393 = arith.constant 112 : index
        %parallel_loop3A_394 = tpu.vector_load %arg14[%parallel_loop3A_392, %parallel_loop3A_393] {strides = array<i32>} : memref<200x128xf32, #tpu.memory_space<vmem>>, vector<1x16xf32>,
        %parallel_loop3A_395 = vector.shape_cast %parallel_loop3A_394 : vector<1x16xf32> to vector<16xf32>
        %parallel_loop3A_396 = arith.constant 11.3137083 : f32
        %parallel_loop3A_397 = vector.broadcast %parallel_loop3A_396 : f32 to vector<16xf32>
        %parallel_loop3A_398 = arith.mulf %parallel_loop3A_395, %parallel_loop3A_397 : vector<16xf32>
        %parallel_loop3A_399 = arith.index_cast %parallel_loop3A_307 : i32 to index
        %parallel_loop3A_400 = arith.constant 112 : index
        %parallel_loop3A_401 = tpu.vector_load %arg14[%parallel_loop3A_399, %parallel_loop3A_400] {strides = array<i32>} : memref<200x128xf32, #tpu.memory_space<vmem>>, vector<1x16xf32>,
        %parallel_loop3A_402 = vector.shape_cast %parallel_loop3A_401 : vector<1x16xf32> to vector<16xf32>
        %parallel_loop3A_403 = vector.shape_cast %parallel_loop3A_398 : vector<16xf32> to vector<1x16xf32>
        tpu.vector_store %arg14[%parallel_loop3A_399, %parallel_loop3A_400], %parallel_loop3A_403 {strides = array<i32>} : memref<200x128xf32, #tpu.memory_space<vmem>>, vector<1x16xf32>,
      } {sc.loop_unroll_factor = 4 : i64, sc.parallel_access}
      %mul3A_300 = arith.constant 200 : i32
      %mul3A_301 = arith.muli %add3A_255, %mul3A_300 : i32
      %add3A_302 = arith.addi %mul3A_2, %mul3A_301 : i32
      %dma_start3A_303 = arith.constant 0 : i32
      %dma_start3A_304 = tpu.memref_slice %arg5[%add3A_302, %dma_start3A_303] : memref<819200x128xf32, #tpu.memory_space<hbm>> -> memref<200x128xf32, #tpu.memory_space<hbm>>
      %dma_start3A_305 = arith.constant 0 : i32
      %dma_start3A_306 = tpu.memref_slice %arg5[%add3A_302, %dma_start3A_305] : memref<819200x128xf32, #tpu.memory_space<hbm>> -> memref<200x128xf32, #tpu.memory_space<hbm>>
      tpu.enqueue_dma source(%arg14 : memref<200x128xf32, #tpu.memory_space<vmem>>) target(%dma_start3A_306 : memref<200x128xf32, #tpu.memory_space<hbm>>) target_semaphore(%arg30 : memref<!tpu.dma_semaphore, #tpu.memory_space<semaphore_mem>>)
    }
    %scan3A_63 = arith.constant 32 : i32
    %add3A_64 = arith.constant 24800 : i32
    %add3A_65 = arith.addi %mul3A_2, %add3A_64 : i32
    %dma_wait3A_66 = arith.constant 0 : i32
    %dma_wait3A_67 = tpu.memref_slice %arg5[%add3A_65, %dma_wait3A_66] : memref<819200x128xf32, #tpu.memory_space<hbm>> -> memref<200x128xf32, #tpu.memory_space<hbm>>
    %dma_wait3A_68 = arith.constant 0 : i32
    %dma_wait3A_69 = tpu.memref_slice %arg5[%add3A_65, %dma_wait3A_68] : memref<819200x128xf32, #tpu.memory_space<hbm>> -> memref<200x128xf32, #tpu.memory_space<hbm>>
    tpu.wait_dma2 semaphore(%arg27 : memref<!tpu.dma_semaphore, #tpu.memory_space<semaphore_mem>>) src(%arg11 : memref<200x128xf32, #tpu.memory_space<vmem>>) dst(%dma_wait3A_69 : memref<200x128xf32, #tpu.memory_space<hbm>>)
    %add3A_70 = arith.constant 25000 : i32
    %add3A_71 = arith.addi %mul3A_2, %add3A_70 : i32
    %dma_wait3A_72 = arith.constant 0 : i32
    %dma_wait3A_73 = tpu.memref_slice %arg5[%add3A_71, %dma_wait3A_72] : memref<819200x128xf32, #tpu.memory_space<hbm>> -> memref<200x128xf32, #tpu.memory_space<hbm>>
    %dma_wait3A_74 = arith.constant 0 : i32
    %dma_wait3A_75 = tpu.memref_slice %arg5[%add3A_71, %dma_wait3A_74] : memref<819200x128xf32, #tpu.memory_space<hbm>> -> memref<200x128xf32, #tpu.memory_space<hbm>>
    tpu.wait_dma2 semaphore(%arg28 : memref<!tpu.dma_semaphore, #tpu.memory_space<semaphore_mem>>) src(%arg12 : memref<200x128xf32, #tpu.memory_space<vmem>>) dst(%dma_wait3A_75 : memref<200x128xf32, #tpu.memory_space<hbm>>)
    %add3A_76 = arith.constant 25200 : i32
    %add3A_77 = arith.addi %mul3A_2, %add3A_76 : i32
    %dma_wait3A_78 = arith.constant 0 : i32
    %dma_wait3A_79 = tpu.memref_slice %arg5[%add3A_77, %dma_wait3A_78] : memref<819200x128xf32, #tpu.memory_space<hbm>> -> memref<200x128xf32, #tpu.memory_space<hbm>>
    %dma_wait3A_80 = arith.constant 0 : i32
    %dma_wait3A_81 = tpu.memref_slice %arg5[%add3A_77, %dma_wait3A_80] : memref<819200x128xf32, #tpu.memory_space<hbm>> -> memref<200x128xf32, #tpu.memory_space<hbm>>
    tpu.wait_dma2 semaphore(%arg29 : memref<!tpu.dma_semaphore, #tpu.memory_space<semaphore_mem>>) src(%arg13 : memref<200x128xf32, #tpu.memory_space<vmem>>) dst(%dma_wait3A_81 : memref<200x128xf32, #tpu.memory_space<hbm>>)
    %add3A_82 = arith.constant 25400 : i32
    %add3A_83 = arith.addi %mul3A_2, %add3A_82 : i32
    %dma_wait3A_84 = arith.constant 0 : i32
    %dma_wait3A_85 = tpu.memref_slice %arg5[%add3A_83, %dma_wait3A_84] : memref<819200x128xf32, #tpu.memory_space<hbm>> -> memref<200x128xf32, #tpu.memory_space<hbm>>
    %dma_wait3A_86 = arith.constant 0 : i32
    %dma_wait3A_87 = tpu.memref_slice %arg5[%add3A_83, %dma_wait3A_86] : memref<819200x128xf32, #tpu.memory_space<hbm>> -> memref<200x128xf32, #tpu.memory_space<hbm>>
    tpu.wait_dma2 semaphore(%arg30 : memref<!tpu.dma_semaphore, #tpu.memory_space<semaphore_mem>>) src(%arg14 : memref<200x128xf32, #tpu.memory_space<vmem>>) dst(%dma_wait3A_87 : memref<200x128xf32, #tpu.memory_space<hbm>>)
    return
  }
}

</mosaic_0001>

<sc_bundles>
// kernel: kernel.3.cloned.1.call-start
scs
__scs_entry_jumppad:
0x0: {  	(pc) =	sbr.rel $0x88, $3  }
0x1: {  	(tag) =	ssettag $0x0;
	lr =	simm.s32 $0x1  }
0x2: {  	[smem:$0x3F9E] =	sst lr;
	_ =	strace $0xD0000000  }
0x3: {  	_ = 	snop  }
0x4: {  	_ = 	snop  }
0x5: {  	_ = 	snop  }
0x6: {  	_ = 	snop  }
0x7: {  	_ = 	snop  }
__scs_overlays_trampoline_lowered:
0x8: {  	[smem:$0x3FAD] =	sst s0  }
0x9: {  	[smem:$0x3FAE] =	sst s1  }
0xa: {  	[smem:$0x3FAF] =	sst s2  }
0xb: {  	[smem:$0x3FB0] =	sst s3  }
0xc: {  	[smem:$0x3FB1] =	sst s4  }
0xd: {  	[smem:$0x3FB2] =	sst s5  }
0xe: {  	[smem:$0x3FB3] =	sst s6  }
0xf: {  	[smem:$0x3FB4] =	sst s7  }
0x10: {  	[smem:$0x3FB5] =	sst s8  }
0x11: {  	[smem:$0x3FB6] =	sst s9;
	s0 =	simm.s32 @!p0 $0x0  }
0x12: {  	s1 =	sld [smem:$0x3F9C];
	s0 =	simm.s32 @p0 $0x1  }
0x13: {  	[smem:$0x3FB7] =	sst s0;
	s0 =	simm.s32 @!p1 $0x0  }
0x14: {  	s2 =	sld [smem:$0x3F9B];
	s0 =	simm.s32 @p1 $0x1  }
0x15: {  	[smem:$0x3FB8] =	sst s0;
	s0 =	simm.s32 @!p2 $0x0  }
0x16: {  	s3 =	sld [smem:$0x3FDB];
	s0 =	simm.s32 @p2 $0x1  }
0x17: {  	s4 =	simm.s32 $0x1BF5;
	[smem:$0x3FBA] =	sst s0  }
0x18: {  	s0 =	sld [smem:$0x3F9D];
	_ =	swait.ge [sflag:s4], $0x0  }
0x19: {  	s7 =	sld [smem:$0x3F9E]  }
0x1a: {  	s8 =	sadd.s32 $0xFFFFE003, lr  }
0x1b: {  	s9 =	sadd.s32 $0xFFFFFEF7, lr;
	s5 =	simm.s32 $0xFFFFFFFF;
	p2 =	slt.u32 s8, $0xFFFFF086  }
0x1c: {  	p1 =	slt.u32 s9, $0xF7A;
	s5 =	simm.s32 @!p2 $0x0  }
0x1d: {  	s5 =	simm.s32 @p1 $0x1;
	p0 =	seq.s32 s7, s2  }
0x1e: {  	s7 =	smul.u32 @!p0 $0xF7A, s2;
	p2 =	seq.s32 @!p0 s5, $0x0  }
0x1f: {  	s9 =	smul.u32 $0xF7A, s1;
	s8 =	simm.s32 @!p0 $0x1BF5;
	p2 =	por !p2, p0  }
0x20: {  	[sflag:s8] =	ssyncset.s32 @!p0 $0xFFFFF086;
	s6 =	sadd.s32 @!p0 s3, s7;
	s7 =	simm.s32 @!p0 $0x108  }
0x21: {  	s3 =	sadd.s32 s3, s9;
	s6 =	sadd.s32 @!p0 $0x88, s6;
	s7 =	simm.s32 @p2 $0x1082  }
0x22: {  	[simem:s7], [sflag:s8] =	dma.local @!p0 [hbm:s6], $0xF7A  }
0x23: {  	s9 =	sor.u32 $0xD0000000, s2;
	s6 =	simm.s32 $0x108;
	_ =	swait.ge @!p0 [sflag:s8], $0x0  }
0x24: {  	s3 =	sadd.s32 $0x88, s3;
	s6 =	simm.s32 @!p1 $0x1082;
	[sflag:s4] =	ssyncset.s32 $0xFFFFF086  }
0x25: {  	[simem:s6], [sflag:s4] =	dma.local [hbm:s3], $0xF7A  }
0x26: {  	[smem:$0x3F9E] =	sst s1;
	(tag) =	ssettag s2;
	_ =	strace s9  }
0x27: {  	s1 =	sld [smem:$0x3FAE]  }
0x28: {  	s2 =	sld [smem:$0x3FAF]  }
0x29: {  	s4 =	sld [smem:$0x3FB1]  }
0x2a: {  	p0 =	seq.s32 s5, $0x0;
	s5 =	sld [smem:$0x3FB2]  }
0x2b: {  	s6 =	sld [smem:$0x3FB3]  }
0x2c: {  	s7 =	sld [smem:$0x3FB4]  }
0x2d: {  	s3 =	simm.s32 $0x108;
	s8 =	sld [smem:$0x3FB5]  }
0x2e: {  	s3 =	simm.s32 @!p0 $0x1082;
	s9 =	sld [smem:$0x3FB6]  }
0x2f: {  	lr =	sadd.s32 s0, s3;
	s0 =	sld [smem:$0x3FAD]  }
0x30: {  	s3 =	sld [smem:$0x3FB0]  }
0x31: {  	[smem:$0x3FB9] =	sst s10  }
0x32: {  	s10 =	sld [smem:$0x3FB7];
	_ =	sdelay $0x3  }
0x33: {  	p0 =	seq.s32 s10, $0x1;
	s10 =	sld [smem:$0x3FB9];
	_ =	sdelay $0x3  }
0x34: {  	[smem:$0x3FB9] =	sst s10  }
0x35: {  	s10 =	sld [smem:$0x3FB8];
	_ =	sdelay $0x3  }
0x36: {  	p1 =	seq.s32 s10, $0x1;
	s10 =	sld [smem:$0x3FB9];
	_ =	sdelay $0x3  }
0x37: {  	[smem:$0x3FB9] =	sst s10  }
0x38: {  	s10 =	sld [smem:$0x3FBA]  }
0x39: {  	_ = 	snop;
	(pc) =	sbr.ind lr, $3  }
0x3a: {  	_ = 	snop  }
0x3b: {  	_ = 	snop  }
0x3c: {  	p2 =	seq.s32 s10, $0x1;
	s10 =	sld [smem:$0x3FB9]  }
0x3d: {  	_ =	shalt  }
0x3e: {  	_ =	shalt  }
0x3f: {  	_ =	shalt  }
0x40: {  	_ =	shalt  }
0x41: {  	_ =	shalt  }
0x42: {  	_ =	shalt  }
0x43: {  	_ =	shalt  }
0x44: {  	_ =	shalt  }
0x45: {  	_ =	shalt  }
0x46: {  	_ =	shalt  }
0x47: {  	_ =	shalt  }
0x48: {  	_ =	shalt  }
0x49: {  	_ =	shalt  }
0x4a: {  	_ =	shalt  }
0x4b: {  	_ =	shalt  }
0x4c: {  	_ =	shalt  }
0x4d: {  	_ =	shalt  }
0x4e: {  	_ =	shalt  }
0x4f: {  	_ =	shalt  }
0x50: {  	_ =	shalt  }
0x51: {  	_ =	shalt  }
0x52: {  	_ =	shalt  }
0x53: {  	_ =	shalt  }
0x54: {  	_ =	shalt  }
0x55: {  	_ =	shalt  }
0x56: {  	_ =	shalt  }
0x57: {  	_ =	shalt  }
0x58: {  	_ =	shalt  }
0x59: {  	_ =	shalt  }
0x5a: {  	_ =	shalt  }
0x5b: {  	_ =	shalt  }
0x5c: {  	_ =	shalt  }
0x5d: {  	_ =	shalt  }
0x5e: {  	_ =	shalt  }
0x5f: {  	_ =	shalt  }
0x60: {  	_ =	shalt  }
0x61: {  	_ =	shalt  }
0x62: {  	_ =	shalt  }
0x63: {  	_ =	shalt  }
0x64: {  	_ =	shalt  }
0x65: {  	_ =	shalt  }
0x66: {  	_ =	shalt  }
0x67: {  	_ =	shalt  }
0x68: {  	_ =	shalt  }
0x69: {  	_ =	shalt  }
0x6a: {  	_ =	shalt  }
0x6b: {  	_ =	shalt  }
0x6c: {  	_ =	shalt  }
0x6d: {  	_ =	shalt  }
0x6e: {  	_ =	shalt  }
0x6f: {  	_ =	shalt  }
0x70: {  	_ =	shalt  }
0x71: {  	_ =	shalt  }
0x72: {  	_ =	shalt  }
0x73: {  	_ =	shalt  }
0x74: {  	_ =	shalt  }
0x75: {  	_ =	shalt  }
0x76: {  	_ =	shalt  }
0x77: {  	_ =	shalt  }
0x78: {  	_ =	shalt  }
0x79: {  	_ =	shalt  }
0x7a: {  	_ =	shalt  }
0x7b: {  	_ =	shalt  }
0x7c: {  	_ =	shalt  }
0x7d: {  	_ =	shalt  }
0x7e: {  	_ =	shalt  }
0x7f: {  	_ =	shalt  }
0x80: {  	_ =	shalt  }
0x81: {  	_ =	shalt  }
0x82: {  	_ =	shalt  }
0x83: {  	_ =	shalt  }
0x84: {  	_ =	shalt  }
0x85: {  	_ =	shalt  }
0x86: {  	_ =	shalt  }
0x87: {  	_ =	shalt  }
.Lfunc_end0:
.L_simem_size_0:
called_computation_lowered:
.L_overlay_start_0:
0x88: {  	s2 =	sld [smem:$0x3FD9]  }
0x89: {  	s3 =	sld [smem:$0x3FFE];
	_ =	sdelay $0x1  }
0x8a: {  	s1 =	srdreg.scid  }
0x8b: {  	s0 =	sand.u32 $0x1, s1  }
0x8c: {  	s17 =	sshll.u32 s0, $0xA;
	s2 =	sadd.s32 s3, s2  }
0x8d: {  	s2 =	sadd.s32 s2, s17  }
0x8e: {  	[smem:$0x3FC5] =	sst s2  }
0x8f: {  	_ = 	snop  }
0x90: {  	s2 =	sld [smem:$0x3FC8]  }
0x91: {  	s18 =	sld [smem:$0x3FD0];
	(tm) =	ssettm $0x1  }
0x92: {  	s4 =	sld [smem:$0x3FFB];
	_ =	sdelay $0x3  }
0x93: {  	_ =	strace s4  }
0x94: {  	s4 =	sld [smem:$0x3FFC];
	_ =	sdelay $0x3  }
0x95: {  	_ =	strace s4  }
0x96: {  	s4 =	sld [smem:$0x3FFD];
	_ =	sdelay $0x3  }
0x97: {  	_ =	strace s4  }
0x98: {  	_ =	strace $0x8FFFFFFF  }
0x99: {  	s19 =	sld [smem:$0x3FDB];
	_ =	sdelay $0x1  }
0x9a: {  	s5 =	simm.s32 $_scs_section_size  }
0x9b: {  	s6 =	simm.s32 $_size__tile_overlayer_lowered;
	s7 =	simm.s32 $_tile_overlayer_lowered  }
0x9c: {  	s22 =	simm.s32 $0x1BFF;
	s21 =	sshll.u32 s7, $0x1;
	s4 =	sadd.s32 s5, s19  }
0x9d: {  	s8 =	simm.s32 $0x0;
	s20 =	sshll.u32 s6, $0x1;
	s6 =	sadd.s32 s21, s4  }
0x9e: {  	[timem:s8], [sflag:s22] =	dma.local [hbm:s6], s20  }
0x9f: {  	_ =	swait.ge [sflag:s22], s20  }
0xa0: {  	s5 =	ssub.s32 $0x0, s20;
	[sflag:s22] =	ssyncset.done $0x0  }
0xa1: {  	[sflag:s22] =	ssyncadd.s32 s5;
	_ =	sdelay $0x1  }
0xa2: {  	s23 =	simm.s32 $0x1B8B  }
0xa3: {  	_ =	swait.ge [sflag:s23], $0x1  }
0xa4: {  	[sflag:s23] =	ssyncset.done $0x0  }
0xa5: {  	s25 =	simm.s32 $0x1B8E;
	s24 =	sld [smem:$0x3FFE];
	[sflag:s23] =	ssyncadd.s32 $0xFFFFFFFF  }
0xa6: {  	s26 =	simm.s32 $execute0_lowered;
	[smem:$0x3FD2] =	sst s25  }
0xa7: {  	s6 =	sshll.u32 s26, $0x1;
	_ =	strace $0x80000046;
	[dreg:$0x1] =	wrdreg $0xFFFFFFFF  }
0xa8: {  	s28 =	simm.s32 $_size_execute0_lowered;
	s4 =	sadd.s32 s4, s6;
	[dreg:$0x0] =	wrdreg $0x0  }
0xa9: {  	s6 =	sshll.u32 s28, $0x1;
	[dreg:$0x2] =	wrdreg s4  }
0xaa: {  	[dreg:$0x3] =	wrdreg s6  }
0xab: {  	[dreg:$0x4] =	wrdreg $0xC0  }
0xac: {  	_ =	task [dreg:s8], $0x5FFFF  }
0xad: {  	[dreg:$0x1] =	wrdreg $0xFFFFFFFF  }
0xae: {  	[dreg:$0x0] =	wrdreg $0x60  }
0xaf: {  	[dreg:$0x2] =	wrdreg s2  }
0xb0: {  	[dreg:$0x3] =	wrdreg s24  }
0xb1: {  	[dreg:$0x4] =	wrdreg s18  }
0xb2: {  	[dreg:$0x5] =	wrdreg $0x4000  }
0xb3: {  	[dreg:$0x6] =	wrdreg $0x9  }
0xb4: {  	_ =	task.clear_ibuf [dreg:s8], $0x7FFFF;
	_ =	strace $0x90000046  }
0xb5: {  	s29 =	simm.s32 $0x9;
	_ =	strace $0x80000048  }
0xb6: {  	_ =	swait.ge [sflag:s29], $0x1  }
0xb7: {  	[sflag:s29] =	ssyncadd.s32 $0xFFFFFFFF  }
0xb8: {  	_ =	strace $0x90000048  }
0xb9: {  	_ =	sfence  }
0xba: {  	s30 =	sld [smem:$0x0];
	_ =	sdelay $0x2  }
0xbb: {  	s31 =	sshll.u32 s1, $0xD;
	s1 =	sshrl.u32 s1, $0x2  }
0xbc: {  	s3 =	sand.u32 $0x4000, s31;
	s1 =	sadd.s32 s1, s30  }
0xbd: {  	s0 =	sor.u32 s3, s0;
	s1 =	sshll.u32 s1, $0x11  }
0xbe: {  	s0 =	sor.u32 s1, s0  }
0xbf: {  	s0 =	sadd.s32 $0x8F2B, s0  }
0xc0: {  	[sflag:s0] =	ssyncadd.remote.s32 $0x1  }
0xc1: {  	_ =	sfence.sel $0xFFFF  }
0xc2: {  	[dreg:$0x0] =	wrdreg $0xFFFFFFFF;
	(pc) =	sbr.abs _section_cstart, $3  }
0xc3: {  	[dreg:$0x1] =	wrdreg $0xFFFFFFFF  }
0xc4: {  	_ =	task.clear_ibuf [dreg:s8], $0x2FFFF;
	_ =	strace $0x9FFFFFFF  }
0xc5: {  	(tm) =	ssettm $0x7FFFFFFF  }
tec
execute0_lowered:
.L_overlay_start_1:
0x0: {  	(tag) =	ssettag $0x1  }
0x1: {  	s1 =	rddreg [dreg:$0x0]  }
0x2: {  	s0 =	rddreg [dreg:$0x1]  }
0x3: {  	s2 =	rddreg [dreg:$0x2]  }
0x4: {  	s3 =	rddreg [dreg:$0x3];
	s4 =	simm.s32 $0x0  }
0x5: {  	s5 =	srdreg.scid;
	s6 =	stileid.u32;
	s29 =	simm.s32 $0x300  }
0x6: {  	s30 =	simm.s32 $0xD240;
	s31 =	simm.s32 $0x2;
	s11 =	simm.s32 $0x3  }
0x7: {  	s17 =	simm.s32 $0x7;
	s28 =	simm.s32 $0xC;
	s18 =	simm.s32 $0x10  }
0x8: {  	s12 =	simm.s32 $0x0;
	[smem:$0x7FF] =	sst s4;
	s7 =	sand.u32 $0x1, s5  }
0x9: {  	s8 =	sshll.u32 s6, $0x1;
	s5 =	sadd.s32 $0x1200, s0;
	s0 =	sadd.s32 $0x400, s0  }
0xa: {  	p0 =	sne.s32 s6, $0x0;
	_ =	strace $0x80000047;
	s8 =	sor.u32 s7, s8  }
0xb: {  	[dreg:$0x5] =	wrdreg s0;
	s21 =	ssub.s32 $0x2, s7;
	s9 =	sshll.u32 s8, $0xC  }
0xc: {  	s7 =	smul.u32 $0x6400, s8;
	s8 =	sshll.u32 s8, $0xF;
	s9 =	sadd.s32 s5, s9  }
0xd: {  	s6 =	simm.s32 $0x9;
	s23 =	sor.u32 $0x400, s8;
	[dreg:$0x6] =	wrdreg s9  }
0xe: {  	s10 =	sshrl.u32 s21, $0x1;
	s25 =	sor.u32 $0x500, s8;
	[dreg:$0x9] =	wrdreg s23  }
0xf: {  	s0 =	ssub.s32 s21, s10;
	s22 =	sadd.s32 $0x20, s9;
	[dreg:$0xb] =	wrdreg s25  }
0x10: {  	s15 =	smov.u32 s8;
	s9 =	sadd.s32 $0x40, s9;
	[dreg:$0x7] =	wrdreg s22  }
0x11: {  	s16 =	sor.u32 $0x600, s8;
	s24 =	sor.u32 $0xC8, s7;
	[dreg:$0x8] =	wrdreg s9  }
0x12: {  	s10 =	simm.s32 $0x13640;
	s26 =	sor.u32 $0x190, s7;
	[dreg:$0xa] =	wrdreg s24  }
0x13: {  	s8 =	simm.s32 $0xB;
	s0 =	smax.u32 s0, $0x1;
	[dreg:$0xc] =	wrdreg s26  }
0x14: {  	s25 =	simm.s32 $0x64;
	s23 =	simm.s32 $0xA;
	[dreg:$0xd] =	wrdreg s0  }
0x15: {  	s0 =	sshrl.u32 @!p0 s3, $0x3;
	s22 =	simm.s32 $0x6E40;
	s24 =	simm.s32 $0x4  }
0x16: {  	s26 =	simm.s32 $0x8;
	[dreg:$0xe] =	wrdreg s0;
	s0 =	simm.s32 $0x6  }
.LBB2_1:
0x17: {  	[dreg:$0xf] =	wrdreg s12  }
0x18: {  	s12 =	rddreg [dreg:$0x5]  }
0x19: {  	s9 =	simm.s32 @!p0 $0x1C11;
	s13 =	rddreg [dreg:$0xe]  }
0x1a: {  	[spmem:s13], [sflag:s9] =	dma.local @!p0 [hbm:s12], $0xC80  }
0x1b: {  	s9 =	simm.s32 @!p0 $0x11  }
0x1c: {  	_ =	swait.ge @!p0 [sflag:s9], $0xC80  }
0x1d: {  	[sflag:s9] =	ssyncset.done @!p0 $0x0  }
0x1e: {  	[sflag:s9] =	ssyncadd.s32 @!p0 $0xFFFFF380  }
0x1f: {  	[bflag:$0x0] =	sbarrier.arrive $0xFFFF  }
0x20: {  	s13 =	rddreg [dreg:$0x6]  }
0x21: {  	[tilespmem:s4], [sflag:$0x1] =	stream.linear.gather [hbm4b:s13+s4], $0x100, $0x38;
	[tilespmem:$0x19A40] =	vst v63  }
0x22: {  	s19 =	simm.s32 $0x100;
	s14 =	rddreg [dreg:$0x7]  }
0x23: {  	[tilespmem:s19], [sflag:$0x2] =	stream.linear.gather [hbm4b:s14+s4], $0x100, $0x38;
	[tilespmem:$0x19A40] =	vst v63  }
0x24: {  	s21 =	simm.s32 $0x200;
	s20 =	rddreg [dreg:$0x8]  }
0x25: {  	[tilespmem:s21], [sflag:$0x3] =	stream.linear.gather [hbm4b:s20+s4], $0x100, $0x38;
	[tilespmem:$0x19A40] =	vst v63  }
0x26: {  	s13 =	simm.s32 $0xA40  }
0x27: {  	[tilespmem:s13], [sflag:$0x5] =	stream.linear.gather [spmem:s3], $0x6400, $0x38;
	[tilespmem:$0x19A40] =	vst v63  }
0x28: {  	s14 =	simm.s32 $0x1  }
0x29: {  	[tilespmem:s22], [sflag:$0x6] =	stream.linear.gather [spmem:s3], $0x6400, $0x38;
	[tilespmem:$0x19A40] =	vst v63  }
0x2a: {  	_ =	swait.ge [sflag:s14], $0x100  }
0x2b: {  	[sflag:s14] =	ssyncset.done $0x0  }
0x2c: {  	s19 =	simm.s32 $0x5;
	[sflag:s14] =	ssyncadd.s32 $0xFFFFFF00  }
0x2d: {  	_ =	swait.ge [sflag:s19], $0x6400  }
0x2e: {  	[sflag:s19] =	ssyncset.done $0x0  }
0x2f: {  	[sflag:s19] =	ssyncadd.s32 $0xFFFF9C00  }
0x30: {  	[tilespmem:s13], [sflag:$0x9] =	stream.indirect.gather.add.f32 [hbm:s1], $0x80, s4, s25, $0xb8;
	[tilespmem:$0x19A40] =	vst v63  }
0x31: {  	s20 =	simm.s32 $0x80;
	s21 =	simm.s32 $0x3C40;
	s19 =	simm.s32 $0x0  }
0x32: {  	[tilespmem:s21], [sflag:$0x9] =	stream.indirect.gather.add.f32 [hbm:s1], $0x80, s20, s25, $0xb8;
	[tilespmem:$0x19A40] =	vst v63  }
.LBB2_2:
0x33: {  	s20 =	sshllo.u32 s19, $0x2  }
0x34: {  	s9 =	sshll.u32 s20, $0x8  }
0x35: {  	s9 =	sadd.s32 s15, s9  }
0x36: {  	s9 =	sshrl.u32 s9, $0x3  }
0x37: {  	p1 =	seq.s32 s19, $0x0;
	s9 =	sadd.s32 s5, s9  }
0x38: {  	[tilespmem:s29], [sflag:$0x4] =	stream.linear.gather [hbm4b:s9+s4], $0x100, $0x38;
	[tilespmem:$0x19A40] =	vst v63  }
0x39: {  	s9 =	simm.s32 @!p1 $0xF  }
0x3a: {  	_ =	swait.ge @!p1 [sflag:s9], $0x6400  }
0x3b: {  	[sflag:s9] =	ssyncset.done @!p1 $0x0  }
0x3c: {  	[sflag:s9] =	ssyncadd.s32 @!p1 $0xFFFF9C00  }
0x3d: {  	[tilespmem:s30], [sflag:$0x7] =	stream.linear.gather [spmem:s3], $0x6400, $0x38;
	[tilespmem:$0x19A40] =	vst v63  }
0x3e: {  	_ =	swait.ge [sflag:s31], $0x100  }
0x3f: {  	[sflag:s31] =	ssyncset.done $0x0  }
0x40: {  	[sflag:s31] =	ssyncadd.s32 $0xFFFFFF00  }
0x41: {  	_ =	swait.ge [sflag:s0], $0x6400  }
0x42: {  	[sflag:s0] =	ssyncset.done $0x0  }
0x43: {  	s14 =	simm.s32 $0x100;
	[sflag:s0] =	ssyncadd.s32 $0xFFFF9C00  }
0x44: {  	[tilespmem:s22], [sflag:$0xA] =	stream.indirect.gather.add.f32 [hbm:s1], $0x80, s14, s25, $0xb8;
	[tilespmem:$0x19A40] =	vst v63  }
0x45: {  	s21 =	simm.s32 $0x180;
	s12 =	simm.s32 $0xA040  }
0x46: {  	[tilespmem:s12], [sflag:$0xA] =	stream.indirect.gather.add.f32 [hbm:s1], $0x80, s21, s25, $0xb8;
	[tilespmem:$0x19A40] =	vst v63  }
0x47: {  	_ =	swait.ge [sflag:s6], $0x3200  }
0x48: {  	[sflag:s6] =	ssyncset.done $0x0  }
0x49: {  	[sflag:s6] =	ssyncadd.s32 $0xFFFFCE00  }
0x4a: {  	_ =	swait.ge [sflag:s6], $0x3200  }
0x4b: {  	[sflag:s6] =	ssyncset.done $0x0  }
0x4c: {  	s12 =	simm.s32 $0xB40;
	[sflag:s6] =	ssyncadd.s32 $0xFFFFCE00  }
0x4d: {  	v0 =	vld [tilespmem:s12+$0xF0]  }
0x4e: {  	v1 =	vld [tilespmem:s12+$0xFFFFFF10]  }
0x4f: {  	v2 =	vld [tilespmem:s12+$0xFFFFFF20]  }
0x50: {  	v3 =	vld [tilespmem:s12+$0xFFFFFF30]  }
0x51: {  	v6 =	vld [tilespmem:s12+$0xFFFFFF60]  }
0x52: {  	v4 =	vld [tilespmem:s12+$0xFFFFFF40]  }
0x53: {  	v5 =	vld [tilespmem:s12+$0xFFFFFF50];
	v0 =	vmul.f32 $1.131370830e+01, v0  }
0x54: {  	v8 =	vld [tilespmem:s12+$0xFFFFFF80];
	v1 =	vmul.f32 $1.131370830e+01, v1  }
0x55: {  	v7 =	vld [tilespmem:s12+$0xFFFFFF70];
	v2 =	vmul.f32 $1.131370830e+01, v2;
	[tilespmem:s12+$0xF0] =	vst v0  }
0x56: {  	v6 =	vmul.f32 $1.131370830e+01, v6;
	v0 =	vld [tilespmem:s12+$0xFFFFFF90];
	[tilespmem:s12+$0xFFFFFF10] =	vst v1  }
0x57: {  	v1 =	vmul.f32 $1.131370830e+01, v3;
	v3 =	vld [tilespmem:s12+$0xFFFFFFA0];
	[tilespmem:s12+$0xFFFFFF20] =	vst v2;
	v2 =	vmul.f32 $1.131370830e+01, v4  }
0x58: {  	[tilespmem:s12+$0xFFFFFF60] =	vst v6;
	v6 =	vld [tilespmem:s12+$0xFFFFFFF0]  }
0x59: {  	v4 =	vld [tilespmem:s12+$0xFFFFFFB0];
	[tilespmem:s12+$0xFFFFFF40] =	vst v2;
	v2 =	vmul.f32 $1.131370830e+01, v8  }
0x5a: {  	[tilespmem:s12+$0xFFFFFF30] =	vst v1;
	v1 =	vmul.f32 $1.131370830e+01, v5;
	v5 =	vld [tilespmem:s12+$0xFFFFFFC0]  }
0x5b: {  	v8 =	vld [tilespmem:s12+$0xFFFFFFD0];
	[tilespmem:s12+$0xFFFFFF80] =	vst v2;
	v2 =	vmul.f32 $1.131370830e+01, v7  }
0x5c: {  	[tilespmem:s12+$0xFFFFFF50] =	vst v1;
	v1 =	vld [tilespmem:s12+$0xFFFFFFE0];
	v0 =	vmul.f32 $1.131370830e+01, v0  }
0x5d: {  	v7 =	vld [tilespmem:s12+$0x30];
	v6 =	vmul.f32 $1.131370830e+01, v6;
	[tilespmem:s12+$0xFFFFFF70] =	vst v2  }
0x5e: {  	v2 =	vmul.f32 $1.131370830e+01, v3;
	v3 =	vld [tilespmem:s12+$0x0];
	[tilespmem:s12+$0xFFFFFF90] =	vst v0  }
0x5f: {  	v0 =	vmul.f32 $1.131370830e+01, v4;
	v4 =	vld [tilespmem:s12+$0x10];
	[tilespmem:s12+$0xFFFFFFF0] =	vst v6  }
0x60: {  	[tilespmem:s12+$0xFFFFFFA0] =	vst v2;
	v2 =	vmul.f32 $1.131370830e+01, v5;
	v5 =	vld [tilespmem:s12+$0x20]  }
0x61: {  	v6 =	vld [tilespmem:s12+$0x80];
	[tilespmem:s12+$0xFFFFFFB0] =	vst v0;
	v0 =	vmul.f32 $1.131370830e+01, v8  }
0x62: {  	v1 =	vmul.f32 $1.131370830e+01, v1;
	[tilespmem:s12+$0xFFFFFFC0] =	vst v2;
	v2 =	vld [tilespmem:s12+$0x40]  }
0x63: {  	[tilespmem:s12+$0xFFFFFFD0] =	vst v0;
	v0 =	vmul.f32 $1.131370830e+01, v3;
	v3 =	vld [tilespmem:s12+$0x50]  }
0x64: {  	[tilespmem:s12+$0xFFFFFFE0] =	vst v1;
	v1 =	vld [tilespmem:s12+$0x60];
	v4 =	vmul.f32 $1.131370830e+01, v4  }
0x65: {  	[tilespmem:s12+$0x0] =	vst v0;
	v0 =	vmul.f32 $1.131370830e+01, v5;
	v5 =	vld [tilespmem:s12+$0x70]  }
0x66: {  	v6 =	vmul.f32 $1.131370830e+01, v6;
	[tilespmem:s12+$0x10] =	vst v4  }
0x67: {  	v4 =	vmul.f32 $1.131370830e+01, v7;
	v7 =	vld [tilespmem:s12+$0x90];
	[tilespmem:s12+$0x20] =	vst v0;
	v0 =	vmul.f32 $1.131370830e+01, v2  }
0x68: {  	v8 =	vld [tilespmem:s12+$0xA0];
	[tilespmem:s12+$0x80] =	vst v6;
	v2 =	vmul.f32 $1.131370830e+01, v3  }
0x69: {  	v3 =	vmul.f32 $1.131370830e+01, v1;
	[tilespmem:s12+$0x40] =	vst v0;
	v0 =	vld [tilespmem:s12+$0xB0]  }
0x6a: {  	v1 =	vld [tilespmem:s12+$0xC0];
	[tilespmem:s12+$0x50] =	vst v2;
	v2 =	vmul.f32 $1.131370830e+01, v5  }
0x6b: {  	[tilespmem:s12+$0x60] =	vst v3;
	v3 =	vld [tilespmem:s12+$0xD0]  }
0x6c: {  	v5 =	vmul.f32 $1.131370830e+01, v7;
	[tilespmem:s12+$0x70] =	vst v2;
	v2 =	vld [tilespmem:s12+$0xE0]  }
0x6d: {  	s13 =	simm.s32 $0xD40;
	s9 =	simm.s32 $0x0;
	v6 =	vmul.f32 $1.131370830e+01, v8;
	[tilespmem:s12+$0x30] =	vst v4;
	v4 =	vld [tilespmem:s12+$0xFFFFFF00]  }
.LBB2_3:
0x6e: {  	v7 =	vld [tilespmem:s13+$0xF0];
	s9 =	sadd.s32 $0x4, s9;
	[tilespmem:s12+$0x90] =	vst v5;
	v0 =	vmul.f32 $1.131370830e+01, v0  }
0x6f: {  	v5 =	vld [tilespmem:s13+$0xFFFFFF10];
	p1 =	slt.u32 s9, $0xC4;
	[tilespmem:s12+$0xA0] =	vst v6;
	v1 =	vmul.f32 $1.131370830e+01, v1  }
0x70: {  	v6 =	vld [tilespmem:s13+$0xFFFFFF20];
	[tilespmem:s12+$0xB0] =	vst v0;
	v0 =	vmul.f32 $1.131370830e+01, v3  }
0x71: {  	v3 =	vld [tilespmem:s13+$0xFFFFFF30];
	[tilespmem:s12+$0xC0] =	vst v1;
	v1 =	vmul.f32 $1.131370830e+01, v2  }
0x72: {  	v2 =	vld [tilespmem:s13+$0xFFFFFF40];
	v4 =	vmul.f32 $1.131370830e+01, v4;
	[tilespmem:s12+$0xD0] =	vst v0  }
0x73: {  	v0 =	vld [tilespmem:s13+$0xFFFFFF50];
	v7 =	vmul.f32 $1.131370830e+01, v7;
	[tilespmem:s12+$0xE0] =	vst v1  }
0x74: {  	v1 =	vmul.f32 $1.131370830e+01, v5;
	v5 =	vld [tilespmem:s13+$0xFFFFFF60];
	[tilespmem:s12+$0xFFFFFF00] =	vst v4;
	s12 =	smov.u32 s13  }
0x75: {  	v4 =	vmul.f32 $1.131370830e+01, v6;
	v6 =	vld [tilespmem:s13+$0xFFFFFF70];
	[tilespmem:s13+$0xF0] =	vst v7  }
0x76: {  	[tilespmem:s13+$0xFFFFFF10] =	vst v1;
	v1 =	vmul.f32 $1.131370830e+01, v3;
	v3 =	vld [tilespmem:s13+$0xFFFFFF80]  }
0x77: {  	[tilespmem:s13+$0xFFFFFF20] =	vst v4;
	v2 =	vmul.f32 $1.131370830e+01, v2;
	v4 =	vld [tilespmem:s13+$0xFFFFFF90]  }
0x78: {  	[tilespmem:s13+$0xFFFFFF30] =	vst v1;
	v0 =	vmul.f32 $1.131370830e+01, v0;
	v1 =	vld [tilespmem:s13+$0xFFFFFFA0]  }
0x79: {  	[tilespmem:s13+$0xFFFFFF40] =	vst v2;
	v2 =	vmul.f32 $1.131370830e+01, v5;
	v5 =	vld [tilespmem:s13+$0xFFFFFFB0]  }
0x7a: {  	[tilespmem:s13+$0xFFFFFF50] =	vst v0;
	v0 =	vmul.f32 $1.131370830e+01, v6;
	v6 =	vld [tilespmem:s13+$0xFFFFFFC0]  }
0x7b: {  	[tilespmem:s13+$0xFFFFFF60] =	vst v2;
	v2 =	vmul.f32 $1.131370830e+01, v3;
	v3 =	vld [tilespmem:s13+$0xFFFFFFD0]  }
0x7c: {  	[tilespmem:s13+$0xFFFFFF70] =	vst v0;
	v0 =	vmul.f32 $1.131370830e+01, v4;
	v4 =	vld [tilespmem:s13+$0xFFFFFFE0]  }
0x7d: {  	[tilespmem:s13+$0xFFFFFF80] =	vst v2;
	v1 =	vmul.f32 $1.131370830e+01, v1;
	v2 =	vld [tilespmem:s13+$0xFFFFFFF0]  }
0x7e: {  	[tilespmem:s13+$0xFFFFFF90] =	vst v0;
	v0 =	vmul.f32 $1.131370830e+01, v5;
	v5 =	vld [tilespmem:s13+$0x0]  }
0x7f: {  	[tilespmem:s13+$0xFFFFFFA0] =	vst v1;
	v1 =	vmul.f32 $1.131370830e+01, v6;
	v6 =	vld [tilespmem:s13+$0x10]  }
0x80: {  	[tilespmem:s13+$0xFFFFFFB0] =	vst v0;
	v0 =	vmul.f32 $1.131370830e+01, v3;
	v3 =	vld [tilespmem:s13+$0x20]  }
0x81: {  	[tilespmem:s13+$0xFFFFFFC0] =	vst v1;
	v1 =	vmul.f32 $1.131370830e+01, v4;
	v4 =	vld [tilespmem:s13+$0x30]  }
0x82: {  	[tilespmem:s13+$0xFFFFFFD0] =	vst v0;
	v0 =	vmul.f32 $1.131370830e+01, v2;
	v2 =	vld [tilespmem:s13+$0x40]  }
0x83: {  	[tilespmem:s13+$0xFFFFFFE0] =	vst v1;
	v1 =	vmul.f32 $1.131370830e+01, v5;
	v5 =	vld [tilespmem:s13+$0x50]  }
0x84: {  	[tilespmem:s13+$0xFFFFFFF0] =	vst v0;
	v0 =	vmul.f32 $1.131370830e+01, v6;
	v6 =	vld [tilespmem:s13+$0x60]  }
0x85: {  	[tilespmem:s13+$0x0] =	vst v1;
	v1 =	vmul.f32 $1.131370830e+01, v3;
	v3 =	vld [tilespmem:s13+$0x70]  }
0x86: {  	[tilespmem:s13+$0x10] =	vst v0;
	v0 =	vmul.f32 $1.131370830e+01, v4;
	v4 =	vld [tilespmem:s13+$0x80]  }
0x87: {  	[tilespmem:s13+$0x20] =	vst v1;
	v1 =	vmul.f32 $1.131370830e+01, v2;
	v2 =	vld [tilespmem:s13+$0x90]  }
0x88: {  	[tilespmem:s13+$0x30] =	vst v0;
	v5 =	vmul.f32 $1.131370830e+01, v5;
	v7 =	vld [tilespmem:s13+$0xA0]  }
.Ltmp0:
0x89: {  	[tilespmem:s13+$0x40] =	vst v1;
	v6 =	vmul.f32 $1.131370830e+01, v6;
	v0 =	vld [tilespmem:s13+$0xB0];
	(pc) =	sbr.rel @p1 .LBB2_3-.Ltmp0, $4  }
0x8a: {  	[tilespmem:s13+$0x50] =	vst v5;
	v5 =	vmul.f32 $1.131370830e+01, v3;
	v1 =	vld [tilespmem:s13+$0xC0]  }
0x8b: {  	[tilespmem:s13+$0x60] =	vst v6;
	v6 =	vmul.f32 $1.131370830e+01, v4;
	v3 =	vld [tilespmem:s13+$0xD0]  }
0x8c: {  	[tilespmem:s13+$0x70] =	vst v5;
	v5 =	vmul.f32 $1.131370830e+01, v2;
	v2 =	vld [tilespmem:s13+$0xE0]  }
0x8d: {  	s13 =	sadd.s32 $0x200, s13;
	v4 =	vld [tilespmem:s12+$0xFFFFFF00];
	[tilespmem:s12+$0x80] =	vst v6;
	v6 =	vmul.f32 $1.131370830e+01, v7  }
0x8e: {  	[tilespmem:s12+$0x90] =	vst v5;
	v0 =	vmul.f32 $1.131370830e+01, v0  }
0x8f: {  	[tilespmem:s12+$0xA0] =	vst v6;
	v1 =	vmul.f32 $1.131370830e+01, v1  }
0x90: {  	s21 =	smul.u32 $0x320, s19;
	[tilespmem:s12+$0xB0] =	vst v0;
	v0 =	vmul.f32 $1.131370830e+01, v3  }
0x91: {  	[tilespmem:s12+$0xC0] =	vst v1;
	v1 =	vmul.f32 $1.131370830e+01, v2  }
0x92: {  	s9 =	sadd.s32 s7, s21;
	v2 =	vmul.f32 $1.131370830e+01, v4;
	[tilespmem:s12+$0xD0] =	vst v0  }
0x93: {  	s9 =	sshll.u32 s9, $0x4;
	[tilespmem:s12+$0xE0] =	vst v1  }
0x94: {  	s13 =	simm.s32 $0xA40;
	p1 =	seq.s32 s19, $0x1F;
	s9 =	sadd.s32 s2, s9;
	[tilespmem:s12+$0xFFFFFF00] =	vst v2  }
0x95: {  	[hbm4b:s9+s4] =	stream.linear.scatter [tilespmem:s13], [sflag:$0xD], $0x6400, $0x38;
	[tilespmem:$0x19A40] =	vst v63  }
0x96: {  	s12 =	sshll.u32 @!p1 s19, $0xA;
	s9 =	rddreg [dreg:$0x9]  }
0x97: {  	s9 =	sadd.s32 @!p1 s12, s9  }
0x98: {  	p2 =	seq.s32 @!p1 s19, $0x0;
	s9 =	sshrl.u32 @!p1 s9, $0x3  }
0x99: {  	p2 =	por p1, !p2;
	s13 =	simm.s32 @!p1 $0x0;
	s9 =	sadd.s32 @!p1 s5, s9  }
0x9a: {  	[tilespmem:s13], [sflag:$0x1] =	stream.linear.gather @!p1 [hbm4b:s9+s13], $0x100, $0x38;
	[tilespmem:$0x19A40] =	vst v63  }
0x9b: {  	_ =	swait.ge @p2 [sflag:s18], $0x6400  }
0x9c: {  	[sflag:s18] =	ssyncset.done @p2 $0x0  }
0x9d: {  	[sflag:s18] =	ssyncadd.s32 @p2 $0xFFFF9C00  }
0x9e: {  	[tilespmem:s10], [sflag:$0x8] =	stream.linear.gather [spmem:s3], $0x6400, $0x38;
	[tilespmem:$0x19A40] =	vst v63  }
0x9f: {  	_ =	swait.ge [sflag:s11], $0x100  }
0xa0: {  	[sflag:s11] =	ssyncset.done $0x0  }
0xa1: {  	[sflag:s11] =	ssyncadd.s32 $0xFFFFFF00  }
0xa2: {  	_ =	swait.ge [sflag:s17], $0x6400  }
0xa3: {  	[sflag:s17] =	ssyncset.done $0x0  }
0xa4: {  	s14 =	simm.s32 $0x200;
	[sflag:s17] =	ssyncadd.s32 $0xFFFF9C00  }
0xa5: {  	[tilespmem:s30], [sflag:$0xB] =	stream.indirect.gather.add.f32 [hbm:s1], $0x80, s14, s25, $0xb8;
	[tilespmem:$0x19A40] =	vst v63  }
0xa6: {  	s13 =	simm.s32 $0x280;
	s14 =	simm.s32 $0x10440  }
0xa7: {  	[tilespmem:s14], [sflag:$0xB] =	stream.indirect.gather.add.f32 [hbm:s1], $0x80, s13, s25, $0xb8;
	[tilespmem:$0x19A40] =	vst v63  }
0xa8: {  	_ =	swait.ge [sflag:s23], $0x3200  }
0xa9: {  	[sflag:s23] =	ssyncset.done $0x0  }
0xaa: {  	[sflag:s23] =	ssyncadd.s32 $0xFFFFCE00  }
0xab: {  	_ =	swait.ge [sflag:s23], $0x3200  }
0xac: {  	[sflag:s23] =	ssyncset.done $0x0  }
0xad: {  	s9 =	simm.s32 $0x6F40;
	[sflag:s23] =	ssyncadd.s32 $0xFFFFCE00  }
0xae: {  	v0 =	vld [tilespmem:s9+$0xF0]  }
0xaf: {  	v1 =	vld [tilespmem:s9+$0xFFFFFF10]  }
0xb0: {  	v2 =	vld [tilespmem:s9+$0xFFFFFF20]  }
0xb1: {  	v3 =	vld [tilespmem:s9+$0xFFFFFF30]  }
0xb2: {  	v6 =	vld [tilespmem:s9+$0xFFFFFF60]  }
0xb3: {  	v4 =	vld [tilespmem:s9+$0xFFFFFF40]  }
0xb4: {  	v5 =	vld [tilespmem:s9+$0xFFFFFF50];
	v0 =	vmul.f32 $1.131370830e+01, v0  }
0xb5: {  	v8 =	vld [tilespmem:s9+$0xFFFFFF80];
	v1 =	vmul.f32 $1.131370830e+01, v1  }
0xb6: {  	v7 =	vld [tilespmem:s9+$0xFFFFFF70];
	v2 =	vmul.f32 $1.131370830e+01, v2;
	[tilespmem:s9+$0xF0] =	vst v0  }
0xb7: {  	v6 =	vmul.f32 $1.131370830e+01, v6;
	v0 =	vld [tilespmem:s9+$0xFFFFFF90];
	[tilespmem:s9+$0xFFFFFF10] =	vst v1  }
0xb8: {  	v1 =	vmul.f32 $1.131370830e+01, v3;
	v3 =	vld [tilespmem:s9+$0xFFFFFFA0];
	[tilespmem:s9+$0xFFFFFF20] =	vst v2;
	v2 =	vmul.f32 $1.131370830e+01, v4  }
0xb9: {  	[tilespmem:s9+$0xFFFFFF60] =	vst v6;
	v6 =	vld [tilespmem:s9+$0xFFFFFFF0]  }
0xba: {  	v4 =	vld [tilespmem:s9+$0xFFFFFFB0];
	[tilespmem:s9+$0xFFFFFF40] =	vst v2;
	v2 =	vmul.f32 $1.131370830e+01, v8  }
0xbb: {  	[tilespmem:s9+$0xFFFFFF30] =	vst v1;
	v1 =	vmul.f32 $1.131370830e+01, v5;
	v5 =	vld [tilespmem:s9+$0xFFFFFFC0]  }
0xbc: {  	v8 =	vld [tilespmem:s9+$0xFFFFFFD0];
	[tilespmem:s9+$0xFFFFFF80] =	vst v2;
	v2 =	vmul.f32 $1.131370830e+01, v7  }
0xbd: {  	[tilespmem:s9+$0xFFFFFF50] =	vst v1;
	v1 =	vld [tilespmem:s9+$0xFFFFFFE0];
	v0 =	vmul.f32 $1.131370830e+01, v0  }
0xbe: {  	v7 =	vld [tilespmem:s9+$0x30];
	v6 =	vmul.f32 $1.131370830e+01, v6;
	[tilespmem:s9+$0xFFFFFF70] =	vst v2  }
0xbf: {  	v2 =	vmul.f32 $1.131370830e+01, v3;
	v3 =	vld [tilespmem:s9+$0x0];
	[tilespmem:s9+$0xFFFFFF90] =	vst v0  }
0xc0: {  	v0 =	vmul.f32 $1.131370830e+01, v4;
	v4 =	vld [tilespmem:s9+$0x10];
	[tilespmem:s9+$0xFFFFFFF0] =	vst v6  }
0xc1: {  	[tilespmem:s9+$0xFFFFFFA0] =	vst v2;
	v2 =	vmul.f32 $1.131370830e+01, v5;
	v5 =	vld [tilespmem:s9+$0x20]  }
0xc2: {  	v6 =	vld [tilespmem:s9+$0x80];
	[tilespmem:s9+$0xFFFFFFB0] =	vst v0;
	v0 =	vmul.f32 $1.131370830e+01, v8  }
0xc3: {  	v1 =	vmul.f32 $1.131370830e+01, v1;
	[tilespmem:s9+$0xFFFFFFC0] =	vst v2;
	v2 =	vld [tilespmem:s9+$0x40]  }
0xc4: {  	[tilespmem:s9+$0xFFFFFFD0] =	vst v0;
	v0 =	vmul.f32 $1.131370830e+01, v3  }
0xc5: {  	v3 =	vld [tilespmem:s9+$0x50];
	[tilespmem:s9+$0xFFFFFFE0] =	vst v1;
	v4 =	vmul.f32 $1.131370830e+01, v4  }
0xc6: {  	v1 =	vld [tilespmem:s9+$0x60];
	[tilespmem:s9+$0x0] =	vst v0;
	v0 =	vmul.f32 $1.131370830e+01, v5  }
0xc7: {  	v6 =	vmul.f32 $1.131370830e+01, v6;
	v5 =	vld [tilespmem:s9+$0x70];
	[tilespmem:s9+$0x10] =	vst v4  }
0xc8: {  	v4 =	vmul.f32 $1.131370830e+01, v7;
	v7 =	vld [tilespmem:s9+$0x90];
	[tilespmem:s9+$0x20] =	vst v0;
	v0 =	vmul.f32 $1.131370830e+01, v2  }
0xc9: {  	v8 =	vld [tilespmem:s9+$0xA0];
	[tilespmem:s9+$0x80] =	vst v6  }
0xca: {  	v2 =	vmul.f32 $1.131370830e+01, v3;
	[tilespmem:s9+$0x40] =	vst v0;
	v0 =	vld [tilespmem:s9+$0xB0]  }
0xcb: {  	[tilespmem:s9+$0x30] =	vst v4;
	v3 =	vmul.f32 $1.131370830e+01, v1;
	v1 =	vld [tilespmem:s9+$0xC0]  }
0xcc: {  	[tilespmem:s9+$0x50] =	vst v2;
	v4 =	vmul.f32 $1.131370830e+01, v5;
	v2 =	vld [tilespmem:s9+$0xD0]  }
0xcd: {  	[tilespmem:s9+$0x60] =	vst v3;
	v3 =	vld [tilespmem:s9+$0xE0];
	v5 =	vmul.f32 $1.131370830e+01, v7  }
0xce: {  	s13 =	simm.s32 $0x0;
	s14 =	simm.s32 $0x7140;
	v6 =	vmul.f32 $1.131370830e+01, v8;
	[tilespmem:s9+$0x70] =	vst v4;
	v4 =	vld [tilespmem:s9+$0xFFFFFF00]  }
.LBB2_5:
0xcf: {  	v7 =	vld [tilespmem:s14+$0xF0];
	s13 =	sadd.s32 $0x4, s13;
	[tilespmem:s9+$0x90] =	vst v5;
	v0 =	vmul.f32 $1.131370830e+01, v0  }
0xd0: {  	v5 =	vld [tilespmem:s14+$0xFFFFFF10];
	p2 =	slt.u32 s13, $0xC4;
	[tilespmem:s9+$0xA0] =	vst v6;
	v1 =	vmul.f32 $1.131370830e+01, v1  }
0xd1: {  	v6 =	vld [tilespmem:s14+$0xFFFFFF20];
	[tilespmem:s9+$0xB0] =	vst v0;
	v0 =	vmul.f32 $1.131370830e+01, v2  }
0xd2: {  	v2 =	vld [tilespmem:s14+$0xFFFFFF30];
	[tilespmem:s9+$0xC0] =	vst v1;
	v1 =	vmul.f32 $1.131370830e+01, v3  }
0xd3: {  	v3 =	vld [tilespmem:s14+$0xFFFFFF40];
	v4 =	vmul.f32 $1.131370830e+01, v4;
	[tilespmem:s9+$0xD0] =	vst v0  }
0xd4: {  	v0 =	vld [tilespmem:s14+$0xFFFFFF50];
	v7 =	vmul.f32 $1.131370830e+01, v7;
	[tilespmem:s9+$0xE0] =	vst v1  }
0xd5: {  	v1 =	vmul.f32 $1.131370830e+01, v5;
	v5 =	vld [tilespmem:s14+$0xFFFFFF60];
	[tilespmem:s9+$0xFFFFFF00] =	vst v4;
	s9 =	smov.u32 s14  }
0xd6: {  	v4 =	vmul.f32 $1.131370830e+01, v6;
	v6 =	vld [tilespmem:s14+$0xFFFFFF70];
	[tilespmem:s14+$0xF0] =	vst v7  }
0xd7: {  	[tilespmem:s14+$0xFFFFFF10] =	vst v1;
	v1 =	vmul.f32 $1.131370830e+01, v2;
	v2 =	vld [tilespmem:s14+$0xFFFFFF80]  }
0xd8: {  	[tilespmem:s14+$0xFFFFFF20] =	vst v4;
	v3 =	vmul.f32 $1.131370830e+01, v3;
	v4 =	vld [tilespmem:s14+$0xFFFFFF90]  }
0xd9: {  	[tilespmem:s14+$0xFFFFFF30] =	vst v1;
	v0 =	vmul.f32 $1.131370830e+01, v0;
	v1 =	vld [tilespmem:s14+$0xFFFFFFA0]  }
0xda: {  	[tilespmem:s14+$0xFFFFFF40] =	vst v3;
	v3 =	vmul.f32 $1.131370830e+01, v5;
	v5 =	vld [tilespmem:s14+$0xFFFFFFB0]  }
0xdb: {  	[tilespmem:s14+$0xFFFFFF50] =	vst v0;
	v0 =	vmul.f32 $1.131370830e+01, v6;
	v6 =	vld [tilespmem:s14+$0xFFFFFFC0]  }
0xdc: {  	[tilespmem:s14+$0xFFFFFF60] =	vst v3;
	v2 =	vmul.f32 $1.131370830e+01, v2;
	v3 =	vld [tilespmem:s14+$0xFFFFFFD0]  }
0xdd: {  	[tilespmem:s14+$0xFFFFFF70] =	vst v0;
	v0 =	vmul.f32 $1.131370830e+01, v4;
	v4 =	vld [tilespmem:s14+$0xFFFFFFE0]  }
0xde: {  	[tilespmem:s14+$0xFFFFFF80] =	vst v2;
	v1 =	vmul.f32 $1.131370830e+01, v1;
	v2 =	vld [tilespmem:s14+$0xFFFFFFF0]  }
0xdf: {  	[tilespmem:s14+$0xFFFFFF90] =	vst v0;
	v0 =	vmul.f32 $1.131370830e+01, v5;
	v5 =	vld [tilespmem:s14+$0x0]  }
0xe0: {  	[tilespmem:s14+$0xFFFFFFA0] =	vst v1;
	v1 =	vmul.f32 $1.131370830e+01, v6;
	v6 =	vld [tilespmem:s14+$0x10]  }
0xe1: {  	[tilespmem:s14+$0xFFFFFFB0] =	vst v0;
	v0 =	vmul.f32 $1.131370830e+01, v3;
	v3 =	vld [tilespmem:s14+$0x20]  }
0xe2: {  	[tilespmem:s14+$0xFFFFFFC0] =	vst v1;
	v1 =	vmul.f32 $1.131370830e+01, v4;
	v4 =	vld [tilespmem:s14+$0x30]  }
0xe3: {  	[tilespmem:s14+$0xFFFFFFD0] =	vst v0;
	v0 =	vmul.f32 $1.131370830e+01, v2;
	v2 =	vld [tilespmem:s14+$0x40]  }
0xe4: {  	[tilespmem:s14+$0xFFFFFFE0] =	vst v1;
	v1 =	vmul.f32 $1.131370830e+01, v5;
	v5 =	vld [tilespmem:s14+$0x50]  }
0xe5: {  	[tilespmem:s14+$0xFFFFFFF0] =	vst v0;
	v0 =	vmul.f32 $1.131370830e+01, v6;
	v6 =	vld [tilespmem:s14+$0x60]  }
0xe6: {  	[tilespmem:s14+$0x0] =	vst v1;
	v1 =	vmul.f32 $1.131370830e+01, v3;
	v3 =	vld [tilespmem:s14+$0x70]  }
0xe7: {  	[tilespmem:s14+$0x10] =	vst v0;
	v0 =	vmul.f32 $1.131370830e+01, v4;
	v4 =	vld [tilespmem:s14+$0x80]  }
0xe8: {  	[tilespmem:s14+$0x20] =	vst v1;
	v1 =	vmul.f32 $1.131370830e+01, v2;
	v7 =	vld [tilespmem:s14+$0x90]  }
0xe9: {  	[tilespmem:s14+$0x30] =	vst v0;
	v2 =	vmul.f32 $1.131370830e+01, v5;
	v8 =	vld [tilespmem:s14+$0xA0]  }
.Ltmp1:
0xea: {  	[tilespmem:s14+$0x40] =	vst v1;
	v5 =	vmul.f32 $1.131370830e+01, v6;
	v0 =	vld [tilespmem:s14+$0xB0];
	(pc) =	sbr.rel @p2 .LBB2_5-.Ltmp1, $4  }
0xeb: {  	[tilespmem:s14+$0x50] =	vst v2;
	v3 =	vmul.f32 $1.131370830e+01, v3;
	v1 =	vld [tilespmem:s14+$0xC0]  }
0xec: {  	[tilespmem:s14+$0x60] =	vst v5;
	v6 =	vmul.f32 $1.131370830e+01, v4;
	v2 =	vld [tilespmem:s14+$0xD0]  }
0xed: {  	[tilespmem:s14+$0x70] =	vst v3;
	v5 =	vmul.f32 $1.131370830e+01, v7;
	v3 =	vld [tilespmem:s14+$0xE0]  }
0xee: {  	s14 =	sadd.s32 $0x200, s14;
	v4 =	vld [tilespmem:s9+$0xFFFFFF00];
	[tilespmem:s9+$0x80] =	vst v6;
	v6 =	vmul.f32 $1.131370830e+01, v8  }
0xef: {  	[tilespmem:s9+$0x90] =	vst v5;
	v0 =	vmul.f32 $1.131370830e+01, v0  }
0xf0: {  	[tilespmem:s9+$0xA0] =	vst v6;
	v1 =	vmul.f32 $1.131370830e+01, v1  }
0xf1: {  	[tilespmem:s9+$0xB0] =	vst v0;
	v0 =	vmul.f32 $1.131370830e+01, v2  }
0xf2: {  	[tilespmem:s9+$0xC0] =	vst v1;
	v1 =	vmul.f32 $1.131370830e+01, v3  }
0xf3: {  	v2 =	vmul.f32 $1.131370830e+01, v4;
	[tilespmem:s9+$0xD0] =	vst v0  }
0xf4: {  	s13 =	rddreg [dreg:$0xa];
	[tilespmem:s9+$0xE0] =	vst v1  }
0xf5: {  	s13 =	sadd.s32 s21, s13;
	[tilespmem:s9+$0xFFFFFF00] =	vst v2  }
0xf6: {  	s13 =	sshll.u32 s13, $0x4;
	s9 =	rddreg [dreg:$0xb]  }
0xf7: {  	s14 =	sadd.s32 s2, s13;
	s9 =	sadd.s32 @!p1 s12, s9  }
0xf8: {  	[hbm4b:s14+s4] =	stream.linear.scatter [tilespmem:s22], [sflag:$0xE], $0x6400, $0x38;
	[tilespmem:$0x19A40] =	vst v63  }
0xf9: {  	s9 =	sshrl.u32 @!p1 s9, $0x3  }
0xfa: {  	s13 =	simm.s32 @!p1 $0x0;
	s14 =	simm.s32 @!p1 $0x100;
	s9 =	sadd.s32 @!p1 s5, s9  }
0xfb: {  	[tilespmem:s14], [sflag:$0x2] =	stream.linear.gather @!p1 [hbm4b:s9+s13], $0x100, $0x38;
	[tilespmem:$0x19A40] =	vst v63  }
0xfc: {  	s9 =	simm.s32 @!p1 $0xD  }
0xfd: {  	_ =	swait.ge @!p1 [sflag:s9], $0x6400  }
0xfe: {  	[sflag:s9] =	ssyncset.done @!p1 $0x0  }
0xff: {  	[sflag:s9] =	ssyncadd.s32 @!p1 $0xFFFF9C00;
	s9 =	simm.s32 @!p1 $0xA40  }
0x100: {  	[tilespmem:s9], [sflag:$0x5] =	stream.linear.gather @!p1 [spmem:s3], $0x6400, $0x38;
	[tilespmem:$0x19A40] =	vst v63  }
0x101: {  	_ =	swait.ge [sflag:s24], $0x100  }
0x102: {  	[sflag:s24] =	ssyncset.done $0x0  }
0x103: {  	[sflag:s24] =	ssyncadd.s32 $0xFFFFFF00  }
0x104: {  	_ =	swait.ge [sflag:s26], $0x6400  }
0x105: {  	[sflag:s26] =	ssyncset.done $0x0  }
0x106: {  	[sflag:s26] =	ssyncadd.s32 $0xFFFF9C00  }
0x107: {  	[tilespmem:s10], [sflag:$0xC] =	stream.indirect.gather.add.f32 [hbm:s1], $0x80, s29, s25, $0xb8;
	[tilespmem:$0x19A40] =	vst v63  }
0x108: {  	s13 =	simm.s32 $0x380;
	s14 =	simm.s32 $0x16840  }
0x109: {  	[tilespmem:s14], [sflag:$0xC] =	stream.indirect.gather.add.f32 [hbm:s1], $0x80, s13, s25, $0xb8;
	[tilespmem:$0x19A40] =	vst v63  }
0x10a: {  	_ =	swait.ge [sflag:s8], $0x3200  }
0x10b: {  	[sflag:s8] =	ssyncset.done $0x0  }
0x10c: {  	[sflag:s8] =	ssyncadd.s32 $0xFFFFCE00  }
0x10d: {  	_ =	swait.ge [sflag:s8], $0x3200  }
0x10e: {  	[sflag:s8] =	ssyncset.done $0x0  }
0x10f: {  	s9 =	simm.s32 $0xD340;
	[sflag:s8] =	ssyncadd.s32 $0xFFFFCE00  }
0x110: {  	v0 =	vld [tilespmem:s9+$0xF0]  }
0x111: {  	v1 =	vld [tilespmem:s9+$0xFFFFFF10]  }
0x112: {  	v2 =	vld [tilespmem:s9+$0xFFFFFF20]  }
0x113: {  	v3 =	vld [tilespmem:s9+$0xFFFFFF30]  }
0x114: {  	v6 =	vld [tilespmem:s9+$0xFFFFFF60]  }
0x115: {  	v4 =	vld [tilespmem:s9+$0xFFFFFF40]  }
0x116: {  	v5 =	vld [tilespmem:s9+$0xFFFFFF50];
	v0 =	vmul.f32 $1.131370830e+01, v0  }
0x117: {  	v8 =	vld [tilespmem:s9+$0xFFFFFF80];
	v1 =	vmul.f32 $1.131370830e+01, v1  }
0x118: {  	v7 =	vld [tilespmem:s9+$0xFFFFFF70];
	v2 =	vmul.f32 $1.131370830e+01, v2;
	[tilespmem:s9+$0xF0] =	vst v0  }
0x119: {  	v6 =	vmul.f32 $1.131370830e+01, v6;
	v0 =	vld [tilespmem:s9+$0xFFFFFF90];
	[tilespmem:s9+$0xFFFFFF10] =	vst v1  }
0x11a: {  	v1 =	vmul.f32 $1.131370830e+01, v3;
	v3 =	vld [tilespmem:s9+$0xFFFFFFA0];
	[tilespmem:s9+$0xFFFFFF20] =	vst v2;
	v2 =	vmul.f32 $1.131370830e+01, v4  }
0x11b: {  	[tilespmem:s9+$0xFFFFFF60] =	vst v6;
	v6 =	vld [tilespmem:s9+$0xFFFFFFF0]  }
0x11c: {  	v4 =	vld [tilespmem:s9+$0xFFFFFFB0];
	[tilespmem:s9+$0xFFFFFF40] =	vst v2;
	v2 =	vmul.f32 $1.131370830e+01, v8  }
0x11d: {  	[tilespmem:s9+$0xFFFFFF30] =	vst v1;
	v1 =	vmul.f32 $1.131370830e+01, v5;
	v5 =	vld [tilespmem:s9+$0xFFFFFFC0]  }
0x11e: {  	v8 =	vld [tilespmem:s9+$0xFFFFFFD0];
	[tilespmem:s9+$0xFFFFFF80] =	vst v2;
	v2 =	vmul.f32 $1.131370830e+01, v7  }
0x11f: {  	[tilespmem:s9+$0xFFFFFF50] =	vst v1;
	v1 =	vld [tilespmem:s9+$0xFFFFFFE0];
	v0 =	vmul.f32 $1.131370830e+01, v0  }
0x120: {  	v7 =	vld [tilespmem:s9+$0x30];
	v6 =	vmul.f32 $1.131370830e+01, v6;
	[tilespmem:s9+$0xFFFFFF70] =	vst v2  }
0x121: {  	v2 =	vmul.f32 $1.131370830e+01, v3;
	v3 =	vld [tilespmem:s9+$0x0];
	[tilespmem:s9+$0xFFFFFF90] =	vst v0  }
0x122: {  	v0 =	vmul.f32 $1.131370830e+01, v4;
	v4 =	vld [tilespmem:s9+$0x10];
	[tilespmem:s9+$0xFFFFFFF0] =	vst v6  }
0x123: {  	[tilespmem:s9+$0xFFFFFFA0] =	vst v2;
	v2 =	vmul.f32 $1.131370830e+01, v5;
	v5 =	vld [tilespmem:s9+$0x20]  }
0x124: {  	v6 =	vld [tilespmem:s9+$0x80];
	[tilespmem:s9+$0xFFFFFFB0] =	vst v0;
	v0 =	vmul.f32 $1.131370830e+01, v8  }
0x125: {  	v1 =	vmul.f32 $1.131370830e+01, v1;
	[tilespmem:s9+$0xFFFFFFC0] =	vst v2;
	v2 =	vld [tilespmem:s9+$0x40]  }
0x126: {  	[tilespmem:s9+$0xFFFFFFD0] =	vst v0;
	v0 =	vmul.f32 $1.131370830e+01, v3  }
0x127: {  	v3 =	vld [tilespmem:s9+$0x50];
	[tilespmem:s9+$0xFFFFFFE0] =	vst v1;
	v4 =	vmul.f32 $1.131370830e+01, v4  }
0x128: {  	v1 =	vld [tilespmem:s9+$0x60];
	[tilespmem:s9+$0x0] =	vst v0;
	v0 =	vmul.f32 $1.131370830e+01, v5  }
0x129: {  	v6 =	vmul.f32 $1.131370830e+01, v6;
	v5 =	vld [tilespmem:s9+$0x70];
	[tilespmem:s9+$0x10] =	vst v4  }
0x12a: {  	v4 =	vmul.f32 $1.131370830e+01, v7;
	v7 =	vld [tilespmem:s9+$0x90];
	[tilespmem:s9+$0x20] =	vst v0;
	v0 =	vmul.f32 $1.131370830e+01, v2  }
0x12b: {  	v8 =	vld [tilespmem:s9+$0xA0];
	[tilespmem:s9+$0x80] =	vst v6  }
0x12c: {  	v2 =	vmul.f32 $1.131370830e+01, v3;
	[tilespmem:s9+$0x40] =	vst v0;
	v0 =	vld [tilespmem:s9+$0xB0]  }
0x12d: {  	[tilespmem:s9+$0x30] =	vst v4;
	v3 =	vmul.f32 $1.131370830e+01, v1;
	v1 =	vld [tilespmem:s9+$0xC0]  }
0x12e: {  	[tilespmem:s9+$0x50] =	vst v2;
	v4 =	vmul.f32 $1.131370830e+01, v5;
	v2 =	vld [tilespmem:s9+$0xD0]  }
0x12f: {  	[tilespmem:s9+$0x60] =	vst v3;
	v3 =	vld [tilespmem:s9+$0xE0];
	v5 =	vmul.f32 $1.131370830e+01, v7  }
0x130: {  	s13 =	simm.s32 $0x0;
	s14 =	simm.s32 $0xD540;
	v6 =	vmul.f32 $1.131370830e+01, v8;
	[tilespmem:s9+$0x70] =	vst v4;
	v4 =	vld [tilespmem:s9+$0xFFFFFF00]  }
.LBB2_7:
0x131: {  	v7 =	vld [tilespmem:s14+$0xF0];
	s13 =	sadd.s32 $0x4, s13;
	[tilespmem:s9+$0x90] =	vst v5;
	v0 =	vmul.f32 $1.131370830e+01, v0  }
0x132: {  	v5 =	vld [tilespmem:s14+$0xFFFFFF10];
	p2 =	slt.u32 s13, $0xC4;
	[tilespmem:s9+$0xA0] =	vst v6;
	v1 =	vmul.f32 $1.131370830e+01, v1  }
0x133: {  	v6 =	vld [tilespmem:s14+$0xFFFFFF20];
	[tilespmem:s9+$0xB0] =	vst v0;
	v0 =	vmul.f32 $1.131370830e+01, v2  }
0x134: {  	v2 =	vld [tilespmem:s14+$0xFFFFFF30];
	[tilespmem:s9+$0xC0] =	vst v1;
	v1 =	vmul.f32 $1.131370830e+01, v3  }
0x135: {  	v3 =	vld [tilespmem:s14+$0xFFFFFF40];
	v4 =	vmul.f32 $1.131370830e+01, v4;
	[tilespmem:s9+$0xD0] =	vst v0  }
0x136: {  	v0 =	vld [tilespmem:s14+$0xFFFFFF50];
	v7 =	vmul.f32 $1.131370830e+01, v7;
	[tilespmem:s9+$0xE0] =	vst v1  }
0x137: {  	v1 =	vmul.f32 $1.131370830e+01, v5;
	v5 =	vld [tilespmem:s14+$0xFFFFFF60];
	[tilespmem:s9+$0xFFFFFF00] =	vst v4;
	s9 =	smov.u32 s14  }
0x138: {  	v4 =	vmul.f32 $1.131370830e+01, v6;
	v6 =	vld [tilespmem:s14+$0xFFFFFF70];
	[tilespmem:s14+$0xF0] =	vst v7  }
0x139: {  	[tilespmem:s14+$0xFFFFFF10] =	vst v1;
	v1 =	vmul.f32 $1.131370830e+01, v2;
	v2 =	vld [tilespmem:s14+$0xFFFFFF80]  }
0x13a: {  	[tilespmem:s14+$0xFFFFFF20] =	vst v4;
	v3 =	vmul.f32 $1.131370830e+01, v3;
	v4 =	vld [tilespmem:s14+$0xFFFFFF90]  }
0x13b: {  	[tilespmem:s14+$0xFFFFFF30] =	vst v1;
	v0 =	vmul.f32 $1.131370830e+01, v0;
	v1 =	vld [tilespmem:s14+$0xFFFFFFA0]  }
0x13c: {  	[tilespmem:s14+$0xFFFFFF40] =	vst v3;
	v3 =	vmul.f32 $1.131370830e+01, v5;
	v5 =	vld [tilespmem:s14+$0xFFFFFFB0]  }
0x13d: {  	[tilespmem:s14+$0xFFFFFF50] =	vst v0;
	v0 =	vmul.f32 $1.131370830e+01, v6;
	v6 =	vld [tilespmem:s14+$0xFFFFFFC0]  }
0x13e: {  	[tilespmem:s14+$0xFFFFFF60] =	vst v3;
	v2 =	vmul.f32 $1.131370830e+01, v2;
	v3 =	vld [tilespmem:s14+$0xFFFFFFD0]  }
0x13f: {  	[tilespmem:s14+$0xFFFFFF70] =	vst v0;
	v0 =	vmul.f32 $1.131370830e+01, v4;
	v4 =	vld [tilespmem:s14+$0xFFFFFFE0]  }
0x140: {  	[tilespmem:s14+$0xFFFFFF80] =	vst v2;
	v1 =	vmul.f32 $1.131370830e+01, v1;
	v2 =	vld [tilespmem:s14+$0xFFFFFFF0]  }
0x141: {  	[tilespmem:s14+$0xFFFFFF90] =	vst v0;
	v0 =	vmul.f32 $1.131370830e+01, v5;
	v5 =	vld [tilespmem:s14+$0x0]  }
0x142: {  	[tilespmem:s14+$0xFFFFFFA0] =	vst v1;
	v1 =	vmul.f32 $1.131370830e+01, v6;
	v6 =	vld [tilespmem:s14+$0x10]  }
0x143: {  	[tilespmem:s14+$0xFFFFFFB0] =	vst v0;
	v0 =	vmul.f32 $1.131370830e+01, v3;
	v3 =	vld [tilespmem:s14+$0x20]  }
0x144: {  	[tilespmem:s14+$0xFFFFFFC0] =	vst v1;
	v1 =	vmul.f32 $1.131370830e+01, v4;
	v4 =	vld [tilespmem:s14+$0x30]  }
0x145: {  	[tilespmem:s14+$0xFFFFFFD0] =	vst v0;
	v0 =	vmul.f32 $1.131370830e+01, v2;
	v2 =	vld [tilespmem:s14+$0x40]  }
0x146: {  	[tilespmem:s14+$0xFFFFFFE0] =	vst v1;
	v1 =	vmul.f32 $1.131370830e+01, v5;
	v5 =	vld [tilespmem:s14+$0x50]  }
0x147: {  	[tilespmem:s14+$0xFFFFFFF0] =	vst v0;
	v0 =	vmul.f32 $1.131370830e+01, v6;
	v6 =	vld [tilespmem:s14+$0x60]  }
0x148: {  	[tilespmem:s14+$0x0] =	vst v1;
	v1 =	vmul.f32 $1.131370830e+01, v3;
	v3 =	vld [tilespmem:s14+$0x70]  }
0x149: {  	[tilespmem:s14+$0x10] =	vst v0;
	v0 =	vmul.f32 $1.131370830e+01, v4;
	v4 =	vld [tilespmem:s14+$0x80]  }
0x14a: {  	[tilespmem:s14+$0x20] =	vst v1;
	v1 =	vmul.f32 $1.131370830e+01, v2;
	v7 =	vld [tilespmem:s14+$0x90]  }
0x14b: {  	[tilespmem:s14+$0x30] =	vst v0;
	v2 =	vmul.f32 $1.131370830e+01, v5;
	v8 =	vld [tilespmem:s14+$0xA0]  }
.Ltmp2:
0x14c: {  	[tilespmem:s14+$0x40] =	vst v1;
	v5 =	vmul.f32 $1.131370830e+01, v6;
	v0 =	vld [tilespmem:s14+$0xB0];
	(pc) =	sbr.rel @p2 .LBB2_7-.Ltmp2, $4  }
0x14d: {  	[tilespmem:s14+$0x50] =	vst v2;
	v3 =	vmul.f32 $1.131370830e+01, v3;
	v1 =	vld [tilespmem:s14+$0xC0]  }
0x14e: {  	[tilespmem:s14+$0x60] =	vst v5;
	v6 =	vmul.f32 $1.131370830e+01, v4;
	v2 =	vld [tilespmem:s14+$0xD0]  }
0x14f: {  	[tilespmem:s14+$0x70] =	vst v3;
	v5 =	vmul.f32 $1.131370830e+01, v7;
	v3 =	vld [tilespmem:s14+$0xE0]  }
0x150: {  	s14 =	sadd.s32 $0x200, s14;
	v4 =	vld [tilespmem:s9+$0xFFFFFF00];
	[tilespmem:s9+$0x80] =	vst v6;
	v6 =	vmul.f32 $1.131370830e+01, v8  }
0x151: {  	[tilespmem:s9+$0x90] =	vst v5;
	v0 =	vmul.f32 $1.131370830e+01, v0  }
0x152: {  	[tilespmem:s9+$0xA0] =	vst v6;
	v1 =	vmul.f32 $1.131370830e+01, v1  }
0x153: {  	[tilespmem:s9+$0xB0] =	vst v0;
	v0 =	vmul.f32 $1.131370830e+01, v2  }
0x154: {  	[tilespmem:s9+$0xC0] =	vst v1  }
0x155: {  	v1 =	vmul.f32 $1.131370830e+01, v3;
	[tilespmem:s9+$0xD0] =	vst v0  }
0x156: {  	v2 =	vmul.f32 $1.131370830e+01, v4;
	s13 =	rddreg [dreg:$0xc]  }
0x157: {  	[tilespmem:s9+$0xE0] =	vst v1;
	s13 =	sadd.s32 s21, s13  }
0x158: {  	[tilespmem:s9+$0xFFFFFF00] =	vst v2;
	s9 =	sadd.s32 @!p1 s12, s16;
	s13 =	sshll.u32 s13, $0x4  }
0x159: {  	s9 =	sshrl.u32 @!p1 s9, $0x3;
	s21 =	sadd.s32 s2, s13  }
0x15a: {  	[hbm4b:s21+s4] =	stream.linear.scatter [tilespmem:s30], [sflag:$0xF], $0x6400, $0x38;
	[tilespmem:$0x19A40] =	vst v63  }
0x15b: {  	s12 =	simm.s32 @!p1 $0x0;
	s9 =	sadd.s32 @!p1 s5, s9;
	s13 =	simm.s32 @!p1 $0x200  }
0x15c: {  	[tilespmem:s13], [sflag:$0x3] =	stream.linear.gather @!p1 [hbm4b:s9+s12], $0x100, $0x38;
	[tilespmem:$0x19A40] =	vst v63  }
0x15d: {  	s9 =	simm.s32 @!p1 $0xE  }
0x15e: {  	_ =	swait.ge @!p1 [sflag:s9], $0x6400  }
0x15f: {  	[sflag:s9] =	ssyncset.done @!p1 $0x0  }
0x160: {  	[sflag:s9] =	ssyncadd.s32 @!p1 $0xFFFF9C00;
	s9 =	simm.s32 @!p1 $0x6E40  }
0x161: {  	[tilespmem:s9], [sflag:$0x6] =	stream.linear.gather @!p1 [spmem:s3], $0x6400, $0x38;
	[tilespmem:$0x19A40] =	vst v63  }
0x162: {  	s9 =	simm.s32 @!p1 $0x1  }
0x163: {  	_ =	swait.ge @!p1 [sflag:s9], $0x100  }
0x164: {  	[sflag:s9] =	ssyncset.done @!p1 $0x0  }
0x165: {  	[sflag:s9] =	ssyncadd.s32 @!p1 $0xFFFFFF00;
	s9 =	simm.s32 @!p1 $0x5  }
0x166: {  	_ =	swait.ge @!p1 [sflag:s9], $0x6400  }
0x167: {  	[sflag:s9] =	ssyncset.done @!p1 $0x0  }
0x168: {  	s13 =	simm.s32 @!p1 $0xA40;
	[sflag:s9] =	ssyncadd.s32 @!p1 $0xFFFF9C00;
	s9 =	simm.s32 @!p1 $0x64  }
0x169: {  	[tilespmem:s13], [sflag:$0x9] =	stream.indirect.gather.add.f32 @!p1 [hbm:s1], $0x80, s12, s9, $0xb8;
	[tilespmem:$0x19A40] =	vst v63  }
0x16a: {  	s12 =	simm.s32 @!p1 $0x80;
	s13 =	simm.s32 @!p1 $0x3C40  }
0x16b: {  	[tilespmem:s13], [sflag:$0x9] =	stream.indirect.gather.add.f32 @!p1 [hbm:s1], $0x80, s12, s9, $0xb8;
	[tilespmem:$0x19A40] =	vst v63  }
0x16c: {  	_ =	swait.ge [sflag:s28], $0x3200  }
0x16d: {  	[sflag:s28] =	ssyncset.done $0x0  }
0x16e: {  	[sflag:s28] =	ssyncadd.s32 $0xFFFFCE00  }
0x16f: {  	_ =	swait.ge [sflag:s28], $0x3200  }
0x170: {  	[sflag:s28] =	ssyncset.done $0x0  }
0x171: {  	s12 =	simm.s32 $0x13740;
	[sflag:s28] =	ssyncadd.s32 $0xFFFFCE00  }
0x172: {  	v0 =	vld [tilespmem:s12+$0xF0]  }
0x173: {  	v1 =	vld [tilespmem:s12+$0xFFFFFF10]  }
0x174: {  	v2 =	vld [tilespmem:s12+$0xFFFFFF20]  }
0x175: {  	v3 =	vld [tilespmem:s12+$0xFFFFFF30]  }
0x176: {  	v6 =	vld [tilespmem:s12+$0xFFFFFF60]  }
0x177: {  	v4 =	vld [tilespmem:s12+$0xFFFFFF40]  }
0x178: {  	v5 =	vld [tilespmem:s12+$0xFFFFFF50];
	v0 =	vmul.f32 $1.131370830e+01, v0  }
0x179: {  	v8 =	vld [tilespmem:s12+$0xFFFFFF80];
	v1 =	vmul.f32 $1.131370830e+01, v1  }
0x17a: {  	v7 =	vld [tilespmem:s12+$0xFFFFFF70];
	v2 =	vmul.f32 $1.131370830e+01, v2;
	[tilespmem:s12+$0xF0] =	vst v0  }
0x17b: {  	v6 =	vmul.f32 $1.131370830e+01, v6;
	v0 =	vld [tilespmem:s12+$0xFFFFFF90];
	[tilespmem:s12+$0xFFFFFF10] =	vst v1  }
0x17c: {  	v1 =	vmul.f32 $1.131370830e+01, v3;
	v3 =	vld [tilespmem:s12+$0xFFFFFFA0];
	[tilespmem:s12+$0xFFFFFF20] =	vst v2;
	v2 =	vmul.f32 $1.131370830e+01, v4  }
0x17d: {  	[tilespmem:s12+$0xFFFFFF60] =	vst v6;
	v6 =	vld [tilespmem:s12+$0xFFFFFFF0]  }
0x17e: {  	v4 =	vld [tilespmem:s12+$0xFFFFFFB0];
	[tilespmem:s12+$0xFFFFFF40] =	vst v2;
	v2 =	vmul.f32 $1.131370830e+01, v8  }
0x17f: {  	[tilespmem:s12+$0xFFFFFF30] =	vst v1;
	v1 =	vmul.f32 $1.131370830e+01, v5;
	v5 =	vld [tilespmem:s12+$0xFFFFFFC0]  }
0x180: {  	v8 =	vld [tilespmem:s12+$0xFFFFFFD0];
	[tilespmem:s12+$0xFFFFFF80] =	vst v2;
	v2 =	vmul.f32 $1.131370830e+01, v7  }
0x181: {  	[tilespmem:s12+$0xFFFFFF50] =	vst v1;
	v1 =	vld [tilespmem:s12+$0xFFFFFFE0];
	v0 =	vmul.f32 $1.131370830e+01, v0  }
0x182: {  	v7 =	vld [tilespmem:s12+$0x30];
	v6 =	vmul.f32 $1.131370830e+01, v6;
	[tilespmem:s12+$0xFFFFFF70] =	vst v2  }
0x183: {  	v2 =	vmul.f32 $1.131370830e+01, v3;
	v3 =	vld [tilespmem:s12+$0x0];
	[tilespmem:s12+$0xFFFFFF90] =	vst v0  }
0x184: {  	v0 =	vmul.f32 $1.131370830e+01, v4;
	v4 =	vld [tilespmem:s12+$0x10];
	[tilespmem:s12+$0xFFFFFFF0] =	vst v6  }
0x185: {  	[tilespmem:s12+$0xFFFFFFA0] =	vst v2;
	v2 =	vmul.f32 $1.131370830e+01, v5;
	v5 =	vld [tilespmem:s12+$0x20]  }
0x186: {  	v6 =	vld [tilespmem:s12+$0x80];
	[tilespmem:s12+$0xFFFFFFB0] =	vst v0;
	v0 =	vmul.f32 $1.131370830e+01, v8  }
0x187: {  	v1 =	vmul.f32 $1.131370830e+01, v1;
	[tilespmem:s12+$0xFFFFFFC0] =	vst v2;
	v2 =	vld [tilespmem:s12+$0x40]  }
0x188: {  	[tilespmem:s12+$0xFFFFFFD0] =	vst v0;
	v0 =	vmul.f32 $1.131370830e+01, v3;
	v3 =	vld [tilespmem:s12+$0x50]  }
0x189: {  	[tilespmem:s12+$0xFFFFFFE0] =	vst v1;
	v1 =	vld [tilespmem:s12+$0x60];
	v4 =	vmul.f32 $1.131370830e+01, v4  }
0x18a: {  	[tilespmem:s12+$0x0] =	vst v0;
	v0 =	vmul.f32 $1.131370830e+01, v5;
	v5 =	vld [tilespmem:s12+$0x70]  }
0x18b: {  	v6 =	vmul.f32 $1.131370830e+01, v6;
	[tilespmem:s12+$0x10] =	vst v4  }
0x18c: {  	v4 =	vmul.f32 $1.131370830e+01, v7;
	v7 =	vld [tilespmem:s12+$0x90];
	[tilespmem:s12+$0x20] =	vst v0;
	v0 =	vmul.f32 $1.131370830e+01, v2  }
0x18d: {  	v8 =	vld [tilespmem:s12+$0xA0];
	[tilespmem:s12+$0x80] =	vst v6;
	v2 =	vmul.f32 $1.131370830e+01, v3  }
0x18e: {  	v3 =	vmul.f32 $1.131370830e+01, v1;
	[tilespmem:s12+$0x40] =	vst v0;
	v0 =	vld [tilespmem:s12+$0xB0]  }
0x18f: {  	v1 =	vld [tilespmem:s12+$0xC0];
	[tilespmem:s12+$0x50] =	vst v2;
	v2 =	vmul.f32 $1.131370830e+01, v5  }
0x190: {  	[tilespmem:s12+$0x60] =	vst v3;
	v3 =	vld [tilespmem:s12+$0xD0]  }
0x191: {  	v5 =	vmul.f32 $1.131370830e+01, v7;
	[tilespmem:s12+$0x70] =	vst v2;
	v2 =	vld [tilespmem:s12+$0xE0]  }
0x192: {  	s9 =	simm.s32 $0x0;
	s13 =	simm.s32 $0x13940;
	v6 =	vmul.f32 $1.131370830e+01, v8;
	[tilespmem:s12+$0x30] =	vst v4;
	v4 =	vld [tilespmem:s12+$0xFFFFFF00]  }
.LBB2_9:
0x193: {  	v7 =	vld [tilespmem:s13+$0xF0];
	s9 =	sadd.s32 $0x4, s9;
	[tilespmem:s12+$0x90] =	vst v5;
	v0 =	vmul.f32 $1.131370830e+01, v0  }
0x194: {  	v5 =	vld [tilespmem:s13+$0xFFFFFF10];
	p1 =	slt.u32 s9, $0xC4;
	[tilespmem:s12+$0xA0] =	vst v6;
	v1 =	vmul.f32 $1.131370830e+01, v1  }
0x195: {  	v6 =	vld [tilespmem:s13+$0xFFFFFF20];
	[tilespmem:s12+$0xB0] =	vst v0;
	v0 =	vmul.f32 $1.131370830e+01, v3  }
0x196: {  	v3 =	vld [tilespmem:s13+$0xFFFFFF30];
	[tilespmem:s12+$0xC0] =	vst v1;
	v1 =	vmul.f32 $1.131370830e+01, v2  }
0x197: {  	v2 =	vld [tilespmem:s13+$0xFFFFFF40];
	v4 =	vmul.f32 $1.131370830e+01, v4;
	[tilespmem:s12+$0xD0] =	vst v0  }
0x198: {  	v0 =	vld [tilespmem:s13+$0xFFFFFF50];
	v7 =	vmul.f32 $1.131370830e+01, v7;
	[tilespmem:s12+$0xE0] =	vst v1  }
0x199: {  	v1 =	vmul.f32 $1.131370830e+01, v5;
	v5 =	vld [tilespmem:s13+$0xFFFFFF60];
	[tilespmem:s12+$0xFFFFFF00] =	vst v4;
	s12 =	smov.u32 s13  }
0x19a: {  	v4 =	vmul.f32 $1.131370830e+01, v6;
	v6 =	vld [tilespmem:s13+$0xFFFFFF70];
	[tilespmem:s13+$0xF0] =	vst v7  }
0x19b: {  	[tilespmem:s13+$0xFFFFFF10] =	vst v1;
	v1 =	vmul.f32 $1.131370830e+01, v3;
	v3 =	vld [tilespmem:s13+$0xFFFFFF80]  }
0x19c: {  	[tilespmem:s13+$0xFFFFFF20] =	vst v4;
	v2 =	vmul.f32 $1.131370830e+01, v2;
	v4 =	vld [tilespmem:s13+$0xFFFFFF90]  }
0x19d: {  	[tilespmem:s13+$0xFFFFFF30] =	vst v1;
	v0 =	vmul.f32 $1.131370830e+01, v0;
	v1 =	vld [tilespmem:s13+$0xFFFFFFA0]  }
0x19e: {  	[tilespmem:s13+$0xFFFFFF40] =	vst v2;
	v2 =	vmul.f32 $1.131370830e+01, v5;
	v5 =	vld [tilespmem:s13+$0xFFFFFFB0]  }
0x19f: {  	[tilespmem:s13+$0xFFFFFF50] =	vst v0;
	v0 =	vmul.f32 $1.131370830e+01, v6;
	v6 =	vld [tilespmem:s13+$0xFFFFFFC0]  }
0x1a0: {  	[tilespmem:s13+$0xFFFFFF60] =	vst v2;
	v2 =	vmul.f32 $1.131370830e+01, v3;
	v3 =	vld [tilespmem:s13+$0xFFFFFFD0]  }
0x1a1: {  	[tilespmem:s13+$0xFFFFFF70] =	vst v0;
	v0 =	vmul.f32 $1.131370830e+01, v4;
	v4 =	vld [tilespmem:s13+$0xFFFFFFE0]  }
0x1a2: {  	[tilespmem:s13+$0xFFFFFF80] =	vst v2;
	v1 =	vmul.f32 $1.131370830e+01, v1;
	v2 =	vld [tilespmem:s13+$0xFFFFFFF0]  }
0x1a3: {  	[tilespmem:s13+$0xFFFFFF90] =	vst v0;
	v0 =	vmul.f32 $1.131370830e+01, v5;
	v5 =	vld [tilespmem:s13+$0x0]  }
0x1a4: {  	[tilespmem:s13+$0xFFFFFFA0] =	vst v1;
	v1 =	vmul.f32 $1.131370830e+01, v6;
	v6 =	vld [tilespmem:s13+$0x10]  }
0x1a5: {  	[tilespmem:s13+$0xFFFFFFB0] =	vst v0;
	v0 =	vmul.f32 $1.131370830e+01, v3;
	v3 =	vld [tilespmem:s13+$0x20]  }
0x1a6: {  	[tilespmem:s13+$0xFFFFFFC0] =	vst v1;
	v1 =	vmul.f32 $1.131370830e+01, v4;
	v4 =	vld [tilespmem:s13+$0x30]  }
0x1a7: {  	[tilespmem:s13+$0xFFFFFFD0] =	vst v0;
	v0 =	vmul.f32 $1.131370830e+01, v2;
	v2 =	vld [tilespmem:s13+$0x40]  }
0x1a8: {  	[tilespmem:s13+$0xFFFFFFE0] =	vst v1;
	v1 =	vmul.f32 $1.131370830e+01, v5;
	v5 =	vld [tilespmem:s13+$0x50]  }
0x1a9: {  	[tilespmem:s13+$0xFFFFFFF0] =	vst v0;
	v0 =	vmul.f32 $1.131370830e+01, v6;
	v6 =	vld [tilespmem:s13+$0x60]  }
0x1aa: {  	[tilespmem:s13+$0x0] =	vst v1;
	v1 =	vmul.f32 $1.131370830e+01, v3;
	v3 =	vld [tilespmem:s13+$0x70]  }
0x1ab: {  	[tilespmem:s13+$0x10] =	vst v0;
	v0 =	vmul.f32 $1.131370830e+01, v4;
	v4 =	vld [tilespmem:s13+$0x80]  }
0x1ac: {  	[tilespmem:s13+$0x20] =	vst v1;
	v1 =	vmul.f32 $1.131370830e+01, v2;
	v2 =	vld [tilespmem:s13+$0x90]  }
0x1ad: {  	[tilespmem:s13+$0x30] =	vst v0;
	v5 =	vmul.f32 $1.131370830e+01, v5;
	v7 =	vld [tilespmem:s13+$0xA0]  }
.Ltmp3:
0x1ae: {  	[tilespmem:s13+$0x40] =	vst v1;
	v6 =	vmul.f32 $1.131370830e+01, v6;
	v0 =	vld [tilespmem:s13+$0xB0];
	(pc) =	sbr.rel @p1 .LBB2_9-.Ltmp3, $4  }
0x1af: {  	[tilespmem:s13+$0x50] =	vst v5;
	v5 =	vmul.f32 $1.131370830e+01, v3;
	v1 =	vld [tilespmem:s13+$0xC0]  }
0x1b0: {  	[tilespmem:s13+$0x60] =	vst v6;
	v6 =	vmul.f32 $1.131370830e+01, v4;
	v3 =	vld [tilespmem:s13+$0xD0]  }
0x1b1: {  	[tilespmem:s13+$0x70] =	vst v5;
	v5 =	vmul.f32 $1.131370830e+01, v2;
	v2 =	vld [tilespmem:s13+$0xE0]  }
0x1b2: {  	s13 =	sadd.s32 $0x200, s13;
	v4 =	vld [tilespmem:s12+$0xFFFFFF00];
	[tilespmem:s12+$0x80] =	vst v6;
	v6 =	vmul.f32 $1.131370830e+01, v7  }
0x1b3: {  	[tilespmem:s12+$0x90] =	vst v5;
	v0 =	vmul.f32 $1.131370830e+01, v0  }
0x1b4: {  	s19 =	sadd.s32 $0x1, s19;
	[tilespmem:s12+$0xA0] =	vst v6;
	v1 =	vmul.f32 $1.131370830e+01, v1  }
0x1b5: {  	s9 =	smul.u32 $0xC8, s20;
	p1 =	sne.s32 s19, $0x20;
	[tilespmem:s12+$0xB0] =	vst v0;
	v61 =	vmul.f32 $1.131370830e+01, v3  }
.Ltmp4:
0x1b6: {  	[tilespmem:s12+$0xC0] =	vst v1;
	v62 =	vmul.f32 $1.131370830e+01, v2;
	(pc) =	sbr.rel @p1 .LBB2_2-.Ltmp4, $4  }
0x1b7: {  	s9 =	sadd.s32 s7, s9;
	v63 =	vmul.f32 $1.131370830e+01, v4;
	[tilespmem:s12+$0xD0] =	vst v61  }
0x1b8: {  	s9 =	sshll.u32 s9, $0x4;
	[tilespmem:s12+$0xE0] =	vst v62  }
0x1b9: {  	s9 =	sadd.s32 s2, s9;
	[tilespmem:s12+$0xFFFFFF00] =	vst v63  }
0x1ba: {  	[hbm4b:s9+s4] =	stream.linear.scatter [tilespmem:s10], [sflag:$0x10], $0x6400, $0x38;
	[tilespmem:$0x19A40] =	vst v63  }
0x1bb: {  	s9 =	simm.s32 $0xD  }
0x1bc: {  	_ =	swait.ge [sflag:s9], $0x6400  }
0x1bd: {  	[sflag:s9] =	ssyncset.done $0x0  }
0x1be: {  	s19 =	simm.s32 $0xE;
	[sflag:s9] =	ssyncadd.s32 $0xFFFF9C00  }
0x1bf: {  	_ =	swait.ge [sflag:s19], $0x6400  }
0x1c0: {  	[sflag:s19] =	ssyncset.done $0x0  }
0x1c1: {  	s20 =	simm.s32 $0xF;
	[sflag:s19] =	ssyncadd.s32 $0xFFFF9C00  }
0x1c2: {  	_ =	swait.ge [sflag:s20], $0x6400  }
0x1c3: {  	[sflag:s20] =	ssyncset.done $0x0  }
0x1c4: {  	[sflag:s20] =	ssyncadd.s32 $0xFFFF9C00  }
0x1c5: {  	_ =	swait.ge [sflag:s18], $0x6400  }
0x1c6: {  	s12 =	rddreg [dreg:$0xf]  }
0x1c7: {  	s21 =	rddreg [dreg:$0xd];
	s12 =	sadd.s32 $0x1, s12  }
0x1c8: {  	p1 =	sne.s32 s12, s21  }
.Ltmp5:
0x1c9: {  	_ = 	snop;
	(pc) =	sbr.rel @p1 .LBB2_1-.Ltmp5, $3  }
0x1ca: {  	_ =	sdelay $0x1  }
0x1cb: {  	[sflag:s18] =	ssyncset.done $0x0  }
0x1cc: {  	[sflag:s18] =	ssyncadd.s32 $0xFFFF9C00  }
0x1cd: {  	_ =	sfence.sel $0x180000  }
0x1ce: {  	[bflag:$0x0] =	sbarrier.arrive $0xFFFF  }
0x1cf: {  	_ =	strace $0x90000047  }
0x1d0: {  	[bflag:$0x2] =	sbarrier.arrive $0xFFFF  }
0x1d1: {  	s0 =	rddreg [dreg:$0x4]  }
0x1d2: {  	s0 =	sadd.s32 @!p0 $0x100000, s0  }
0x1d3: {  	[sflag:s0] =	ssyncadd.tile.s32 @!p0 $0x1;
	_ =	shalt  }
.Lfunc_end2:
_tile_overlayer_lowered:
.L_overlay_start_2:
0x1d4: {  	(tag) =	ssettag $0x2  }
0x1d5: {  	s0 =	rddreg [dreg:$0x0];
	s2 =	stileid.u32  }
0x1d6: {  	s1 =	rddreg [dreg:$0x1];
	p0 =	sne.s32 s2, $0x0  }
0x1d7: {  	s3 =	rddreg [dreg:$0x2];
	[bflag:$0x3] =	sbarrier.arrive $0xFFFF;
	s2 =	simm.s32 @!p0 $0x1C11  }
0x1d8: {  	[timem:s3], [sflag:s2] =	dma.local @!p0 [hbm:s0], s1  }
0x1d9: {  	s0 =	simm.s32 @!p0 $0x11  }
0x1da: {  	_ =	swait.ge @!p0 [sflag:s0], s1  }
0x1db: {  	s1 =	ssub.s32 @!p0 $0x0, s1;
	[sflag:s0] =	ssyncset.done @!p0 $0x0  }
0x1dc: {  	[sflag:s0] =	ssyncadd.s32 @!p0 s1  }
0x1dd: {  	[bflag:$0x3] =	sbarrier.arrive $0xFFFF  }
0x1de: {  	_ =	shalt  }

</sc_bundles>
